<compile_context>
chip_gen: v7x
topology: tpu7x:2x2x1
jax: 0.10.2.dev20260603
libtpu: 0.0.44.dev20260713+nightly
codegen_flags: <defaults>
</compile_context>

<pallas_src>
import functools

import jax
import jax.numpy as jnp
from jax import lax
from jax.experimental import pallas as pl
from jax.experimental.pallas import tpu as pltpu
from jax.experimental.pallas import tpu_sc as plsc

D_MODEL = 1024
HIDDEN = 4096
N_EXP = 8
K_TOP = 2
N_TOK = 2048

TB = 128
TH = 512
NB = (N_TOK * K_TOP) // TB + N_EXP
R_PAD = NB * TB
NH = HIDDEN // TH


def _router_body(x_ref, wr_ref, br_ref, idx_ref, w_ref):
    logits = jnp.dot(x_ref[...], wr_ref[...], preferred_element_type=jnp.float32)
    logits = logits + br_ref[...]
    col = lax.broadcasted_iota(jnp.int32, logits.shape, 1)
    neg = jnp.float32(-1e30)
    lg = jnp.where(col < N_EXP, logits, neg)
    m1 = jnp.max(lg, axis=1, keepdims=True)
    i1 = jnp.min(jnp.where(lg == m1, col, 128), axis=1, keepdims=True)
    lg2 = jnp.where(col == i1, neg, lg)
    m2 = jnp.max(lg2, axis=1, keepdims=True)
    i2 = jnp.min(jnp.where(lg2 == m2, col, 128), axis=1, keepdims=True)
    e2 = jnp.exp(m2 - m1)
    w1 = 1.0 / (1.0 + e2)
    w2 = e2 * w1
    idx_ref[...] = jnp.where(col == 0, i1, jnp.where(col == 1, i2, 0))
    w_ref[...] = jnp.where(col == 0, w1, jnp.where(col == 1, w2, 0.0))


def _run_router(x, Wr, br):
    wr_pad = jnp.zeros((D_MODEL, 128), jnp.float32).at[:, :N_EXP].set(Wr)
    br_pad = jnp.zeros((1, 128), jnp.float32).at[0, :N_EXP].set(br)
    idxf, wf = pl.pallas_call(
        _router_body,
        out_shape=(
            jax.ShapeDtypeStruct((N_TOK, 128), jnp.int32),
            jax.ShapeDtypeStruct((N_TOK, 128), jnp.float32),
        ),
    )(x, wr_pad, br_pad)
    return idxf[:, :K_TOP], wf[:, :K_TOP]



def _route_metadata(idx, w):
    ef = idx.reshape(-1).astype(jnp.int32)
    wfl = w.reshape(-1)
    tok = (jnp.arange(N_TOK * K_TOP, dtype=jnp.int32) // K_TOP)
    oh = (ef[:, None] == jnp.arange(N_EXP, dtype=jnp.int32)[None, :])
    counts = jnp.sum(oh.astype(jnp.int32), axis=0)
    rank = jnp.take_along_axis(jnp.cumsum(oh.astype(jnp.int32), axis=0) - 1,
                               ef[:, None], axis=1)[:, 0]
    pad_sizes = ((counts + TB - 1) // TB) * TB
    pad_start = jnp.concatenate(
        [jnp.zeros((1,), jnp.int32), jnp.cumsum(pad_sizes)[:-1].astype(jnp.int32)])
    pos = pad_start[ef] + rank
    tok_pad = jnp.zeros((R_PAD,), jnp.int32).at[pos].set(tok)
    roww = jnp.zeros((R_PAD,), jnp.float32).at[pos].set(wfl)
    total_pad = jnp.sum(pad_sizes)
    bstart = jnp.arange(NB, dtype=jnp.int32) * TB
    bexp = jnp.clip(
        jnp.sum((bstart[:, None] >= pad_start[None, :]).astype(jnp.int32), axis=1) - 1,
        0, N_EXP - 1)
    bvalid = (bstart < total_pad).astype(jnp.int32)
    p0 = pos.reshape(N_TOK, K_TOP)[:, 0]
    p1 = pos.reshape(N_TOK, K_TOP)[:, 1]
    return tok_pad, roww, bexp, bvalid, p0, p1



_info = plsc.get_sparse_core_info()
_NC, _NS = _info.num_cores, _info.num_subcores
_NW = _NC * _NS
_GROWS = R_PAD // _NW
_GCH = 32
_TROWS = N_TOK // _NW
_CCH = 32
_sc_mesh = plsc.VectorSubcoreMesh(core_axis_name="c", subcore_axis_name="s")


@functools.partial(
    pl.kernel, mesh=_sc_mesh,
    out_type=jax.ShapeDtypeStruct((R_PAD, D_MODEL), jnp.float32),
    scratch_types=[
        pltpu.VMEM((_GROWS,), jnp.int32),
        pltpu.VMEM((_GCH, D_MODEL), jnp.float32),
        pltpu.SemaphoreType.DMA,
    ],
)
def _sc_gather_rows(x_hbm, tok_hbm, out_hbm, idx_v, rows_v, sem):
    wid = lax.axis_index("s") * _NC + lax.axis_index("c")
    base = wid * _GROWS
    pltpu.sync_copy(tok_hbm.at[pl.ds(base, _GROWS)], idx_v)
    for c in range(_GROWS // _GCH):
        pltpu.async_copy(x_hbm.at[idx_v.at[pl.ds(c * _GCH, _GCH)]], rows_v, sem).wait()
        pltpu.sync_copy(rows_v, out_hbm.at[pl.ds(base + c * _GCH, _GCH)])


@functools.partial(
    pl.kernel, mesh=_sc_mesh,
    out_type=jax.ShapeDtypeStruct((N_TOK, D_MODEL), jnp.float32),
    scratch_types=[
        pltpu.VMEM((_TROWS,), jnp.int32),
        pltpu.VMEM((_TROWS,), jnp.int32),
        pltpu.VMEM((_CCH, D_MODEL), jnp.float32),
        pltpu.VMEM((_CCH, D_MODEL), jnp.float32),
        pltpu.SemaphoreType.DMA,
        pltpu.SemaphoreType.DMA,
    ],
)
def _sc_combine(ys_hbm, p0_hbm, p1_hbm, out_hbm, i0_v, i1_v, a_v, b_v, s0, s1):
    wid = lax.axis_index("s") * _NC + lax.axis_index("c")
    base = wid * _TROWS
    pltpu.sync_copy(p0_hbm.at[pl.ds(base, _TROWS)], i0_v)
    pltpu.sync_copy(p1_hbm.at[pl.ds(base, _TROWS)], i1_v)
    nvec = D_MODEL // 16
    for c in range(_TROWS // _CCH):
        cp0 = pltpu.async_copy(ys_hbm.at[i0_v.at[pl.ds(c * _CCH, _CCH)]], a_v, s0)
        cp1 = pltpu.async_copy(ys_hbm.at[i1_v.at[pl.ds(c * _CCH, _CCH)]], b_v, s1)
        cp0.wait()
        cp1.wait()

        def body(i, carry):
            r = i // nvec
            j = (i % nvec) * 16
            a_v[r, pl.ds(j, 16)] = a_v[r, pl.ds(j, 16)] + b_v[r, pl.ds(j, 16)]
            return carry

        lax.fori_loop(0, _CCH * nvec, body, 0)
        pltpu.sync_copy(a_v, out_hbm.at[pl.ds(base + c * _CCH, _CCH)])



def _ffn_body(be_s, bv_s, xs_ref, w1_ref, b1_ref, w2_ref, b2_ref, ww_ref, out_ref):
    b = pl.program_id(0)
    h = pl.program_id(1)

    @pl.when(h == 0)
    def _():
        out_ref[...] = jnp.zeros_like(out_ref)

    valid = bv_s[b] == 1

    @pl.when(valid)
    def _():
        t = jnp.dot(xs_ref[...], w1_ref[0], preferred_element_type=jnp.float32)
        t = t + b1_ref[0]
        g = 0.5 * t * (1.0 + jnp.tanh(0.7978845608028654 * (t + 0.044715 * t * t * t)))
        out_ref[...] += jnp.dot(g, w2_ref[0], preferred_element_type=jnp.float32)

    @pl.when(valid & (h == NH - 1))
    def _():
        out_ref[...] = (out_ref[...] + b2_ref[0]) * ww_ref[:, :1]


def _run_ffn(xs, W1, b1, W2, b2, roww, bexp, bvalid):
    roww2d = jnp.tile(roww.reshape(NB * TB, 1), (1, 128))
    grid_spec = pltpu.PrefetchScalarGridSpec(
        num_scalar_prefetch=2,
        grid=(NB, NH),
        in_specs=[
            pl.BlockSpec((TB, D_MODEL), lambda b, h, be, bv: (b, 0)),
            pl.BlockSpec((1, D_MODEL, TH), lambda b, h, be, bv: (be[b], 0, h)),
            pl.BlockSpec((1, 1, TH), lambda b, h, be, bv: (be[b], 0, h)),
            pl.BlockSpec((1, TH, D_MODEL), lambda b, h, be, bv: (be[b], h, 0)),
            pl.BlockSpec((1, 1, D_MODEL), lambda b, h, be, bv: (be[b], 0, 0)),
            pl.BlockSpec((TB, 128), lambda b, h, be, bv: (b, 0)),
        ],
        out_specs=pl.BlockSpec((TB, D_MODEL), lambda b, h, be, bv: (b, 0)),
    )
    return pl.pallas_call(
        _ffn_body,
        grid_spec=grid_spec,
        out_shape=jax.ShapeDtypeStruct((R_PAD, D_MODEL), jnp.float32),
    )(bexp, bvalid, xs, W1, b1.reshape(N_EXP, 1, HIDDEN), W2,
      b2.reshape(N_EXP, 1, D_MODEL), roww2d)



def kernel(x, Wr, br, W1, b1, W2, b2):
    idx, w = _run_router(x, Wr, br)
    tok_pad, roww, bexp, bvalid, p0, p1 = _route_metadata(idx, w)
    xs = _sc_gather_rows(x, tok_pad)
    ys = _run_ffn(xs, W1, b1, W2, b2, roww, bexp, bvalid)
    return _sc_combine(ys, p0, p1)

# --- scband reference (transcript-rebuilt; emitter-appended) ---
"""Pipeline reference for scband-mo-effn-1185410973991 (READ-ONLY COPY).

The authoritative reference and input builder live on the scoring server;
editing this copy changes nothing except your own understanding.
"""

import jax, jax.numpy as jnp
import numpy as np

D_MODEL = 1024
HIDDEN = 4096
E = 8
TOP_K = 2
N_TOK = 2048


def setup_inputs(seed: int = 0) -> dict:
    key = jax.random.key(seed)
    ks = jax.random.split(key, 8)
    x = jax.random.normal(ks[0], (N_TOK, D_MODEL), dtype=jnp.float32)
    Wr = jax.random.normal(ks[1], (D_MODEL, E), dtype=jnp.float32) * (1.0 / np.sqrt(D_MODEL))
    br = jnp.zeros((E,), dtype=jnp.float32)
    W1 = jax.random.normal(ks[2], (E, D_MODEL, HIDDEN), dtype=jnp.float32) * (1.0 / np.sqrt(D_MODEL))
    b1 = jnp.zeros((E, HIDDEN), dtype=jnp.float32)
    W2 = jax.random.normal(ks[3], (E, HIDDEN, D_MODEL), dtype=jnp.float32) * (1.0 / np.sqrt(HIDDEN))
    b2 = jnp.zeros((E, D_MODEL), dtype=jnp.float32)
    return {"x": x, "Wr": Wr, "br": br, "W1": W1, "b1": b1, "W2": W2, "b2": b2}


def reference(x, Wr, br, W1, b1, W2, b2):
    # router
    logits = x @ Wr + br
    vals, idx = jax.lax.top_k(logits, TOP_K)
    weight = jax.nn.softmax(vals, axis=-1)
    results = jnp.zeros_like(x)
    # per-expert masked accumulation; tokens not routed to expert i get weight 0,
    # which matches the torch loop that only updates chosen rows.
    for i in range(E):
        mask = (idx == i).astype(weight.dtype)
        w_i = jnp.sum(weight * mask, axis=-1, keepdims=True)
        h = jax.nn.gelu(x @ W1[i] + b1[i], approximate=True)  # GELU(approximate='tanh')
        out = h @ W2[i] + b2[i]
        results = results + out * w_i
    return results

if __name__ == "__main__":
    import jax
    _d = setup_inputs()
    print(jax.jit(kernel)(*tuple(_d.values())))

</pallas_src>

<mosaic_0001>
#map = affine_map<(d0, d1) -> (0, 0)>
#map1 = affine_map<(d0, d1) -> (0)>
module attributes {stable_mosaic.version = 14 : i64} {
  func.func @_sc_combine(%arg0: i32, %arg1: i32, %arg2: memref<5120x1024xf32, #tpu.memory_space<hbm>>, %arg3: memref<2048xi32, #tpu.memory_space<hbm>>, %arg4: memref<2048xi32, #tpu.memory_space<hbm>>, %arg5: memref<2048x1024xf32, #tpu.memory_space<hbm>>, %arg6: memref<64xi32, #tpu.memory_space<vmem>>, %arg7: memref<64xi32, #tpu.memory_space<vmem>>, %arg8: memref<32x1024xf32, #tpu.memory_space<vmem>>, %arg9: memref<32x1024xf32, #tpu.memory_space<vmem>>, %arg10: memref<!tpu.dma_semaphore, #tpu.memory_space<semaphore_mem>>, %arg11: memref<!tpu.dma_semaphore, #tpu.memory_space<semaphore_mem>>) attributes {dimension_semantics = [#tpu.dimension_semantics<core_parallel>, #tpu.dimension_semantics<subcore_parallel>], iteration_bounds = array<i64: 2, 16>, scalar_prefetch = 0 : i64, scratch_operands = 6 : i64, tpu.core_type = #tpu.core_type<sc_vector_subcore>, window_params = [{transform_indices = #map}, {transform_indices = #map1}, {transform_indices = #map1}, {transform_indices = #map}]} {
    %mul3A = arith.constant 2 : i32
    %mul3A_0 = arith.muli %arg1, %mul3A : i32
    %add3A = arith.addi %mul3A_0, %arg0 : i32
    %mul3A_1 = arith.constant 64 : i32
    %mul3A_2 = arith.muli %add3A, %mul3A_1 : i32
    "tpu.region"() ({
      %run_scoped3A = tpu.sem_alloc : memref<!tpu.dma_semaphore, #tpu.memory_space<semaphore_mem>>
      %dma_start3A_56 = tpu.memref_slice %arg3[%mul3A_2] : memref<2048xi32, #tpu.memory_space<hbm>> -> memref<64xi32, #tpu.memory_space<hbm>>
      %dma_start3A_57 = tpu.memref_slice %arg3[%mul3A_2] : memref<2048xi32, #tpu.memory_space<hbm>> -> memref<64xi32, #tpu.memory_space<hbm>>
      tpu.enqueue_dma source(%dma_start3A_57 : memref<64xi32, #tpu.memory_space<hbm>>) target(%arg6 : memref<64xi32, #tpu.memory_space<vmem>>) target_semaphore(%run_scoped3A : memref<!tpu.dma_semaphore, #tpu.memory_space<semaphore_mem>>)
      %dma_wait3A_58 = tpu.memref_slice %arg3[%mul3A_2] : memref<2048xi32, #tpu.memory_space<hbm>> -> memref<64xi32, #tpu.memory_space<hbm>>
      %dma_wait3A_59 = tpu.memref_slice %arg3[%mul3A_2] : memref<2048xi32, #tpu.memory_space<hbm>> -> memref<64xi32, #tpu.memory_space<hbm>>
      tpu.wait_dma2 semaphore(%run_scoped3A : memref<!tpu.dma_semaphore, #tpu.memory_space<semaphore_mem>>) src(%dma_wait3A_59 : memref<64xi32, #tpu.memory_space<hbm>>) dst(%arg6 : memref<64xi32, #tpu.memory_space<vmem>>)
      tpu.yield
    }) : () -> ()
    "tpu.region"() ({
      %run_scoped3A = tpu.sem_alloc : memref<!tpu.dma_semaphore, #tpu.memory_space<semaphore_mem>>
      %dma_start3A_56 = tpu.memref_slice %arg4[%mul3A_2] : memref<2048xi32, #tpu.memory_space<hbm>> -> memref<64xi32, #tpu.memory_space<hbm>>
      %dma_start3A_57 = tpu.memref_slice %arg4[%mul3A_2] : memref<2048xi32, #tpu.memory_space<hbm>> -> memref<64xi32, #tpu.memory_space<hbm>>
      tpu.enqueue_dma source(%dma_start3A_57 : memref<64xi32, #tpu.memory_space<hbm>>) target(%arg7 : memref<64xi32, #tpu.memory_space<vmem>>) target_semaphore(%run_scoped3A : memref<!tpu.dma_semaphore, #tpu.memory_space<semaphore_mem>>)
      %dma_wait3A_58 = tpu.memref_slice %arg4[%mul3A_2] : memref<2048xi32, #tpu.memory_space<hbm>> -> memref<64xi32, #tpu.memory_space<hbm>>
      %dma_wait3A_59 = tpu.memref_slice %arg4[%mul3A_2] : memref<2048xi32, #tpu.memory_space<hbm>> -> memref<64xi32, #tpu.memory_space<hbm>>
      tpu.wait_dma2 semaphore(%run_scoped3A : memref<!tpu.dma_semaphore, #tpu.memory_space<semaphore_mem>>) src(%dma_wait3A_59 : memref<64xi32, #tpu.memory_space<hbm>>) dst(%arg7 : memref<64xi32, #tpu.memory_space<vmem>>)
      tpu.yield
    }) : () -> ()
    %dma_start3A = arith.constant 0 : i32
    %dma_start3A_3 = tpu.memref_slice %arg6[%dma_start3A] : memref<64xi32, #tpu.memory_space<vmem>> -> memref<32xi32, #tpu.memory_space<vmem>>
    %dma_start3A_4 = arith.constant 0 : i32
    %dma_start3A_5 = arith.constant 0 : i32
    %dma_start3A_6 = tpu.memref_slice %arg2[%dma_start3A_4, %dma_start3A_5] : memref<5120x1024xf32, #tpu.memory_space<hbm>> -> memref<5120x1024xf32, #tpu.memory_space<hbm>>
    tpu.enqueue_indirect_dma source(%dma_start3A_6 : memref<5120x1024xf32, #tpu.memory_space<hbm>>) target(%arg8 : memref<32x1024xf32, #tpu.memory_space<vmem>>) offsets(%dma_start3A_3 : memref<32xi32, #tpu.memory_space<vmem>>) semaphore(%arg10 : memref<!tpu.dma_semaphore, #tpu.memory_space<semaphore_mem>>)
    %dma_start3A_7 = arith.constant 0 : i32
    %dma_start3A_8 = tpu.memref_slice %arg7[%dma_start3A_7] : memref<64xi32, #tpu.memory_space<vmem>> -> memref<32xi32, #tpu.memory_space<vmem>>
    %dma_start3A_9 = arith.constant 0 : i32
    %dma_start3A_10 = arith.constant 0 : i32
    %dma_start3A_11 = tpu.memref_slice %arg2[%dma_start3A_9, %dma_start3A_10] : memref<5120x1024xf32, #tpu.memory_space<hbm>> -> memref<5120x1024xf32, #tpu.memory_space<hbm>>
    tpu.enqueue_indirect_dma source(%dma_start3A_11 : memref<5120x1024xf32, #tpu.memory_space<hbm>>) target(%arg9 : memref<32x1024xf32, #tpu.memory_space<vmem>>) offsets(%dma_start3A_8 : memref<32xi32, #tpu.memory_space<vmem>>) semaphore(%arg11 : memref<!tpu.dma_semaphore, #tpu.memory_space<semaphore_mem>>)
    %dma_wait3A = arith.constant 0 : i32
    %dma_wait3A_12 = tpu.memref_slice %arg6[%dma_wait3A] : memref<64xi32, #tpu.memory_space<vmem>> -> memref<32xi32, #tpu.memory_space<vmem>>
    %dma_wait3A_13 = arith.constant 0 : i32
    %dma_wait3A_14 = arith.constant 0 : i32
    %dma_wait3A_15 = tpu.memref_slice %arg2[%dma_wait3A_13, %dma_wait3A_14] : memref<5120x1024xf32, #tpu.memory_space<hbm>> -> memref<5120x1024xf32, #tpu.memory_space<hbm>>
    tpu.wait_indirect_dma semaphore(%arg10 : memref<!tpu.dma_semaphore, #tpu.memory_space<semaphore_mem>>) src(%dma_wait3A_15 : memref<5120x1024xf32, #tpu.memory_space<hbm>>) dst(%arg8 : memref<32x1024xf32, #tpu.memory_space<vmem>>)
    %dma_wait3A_16 = arith.constant 0 : i32
    %dma_wait3A_17 = tpu.memref_slice %arg7[%dma_wait3A_16] : memref<64xi32, #tpu.memory_space<vmem>> -> memref<32xi32, #tpu.memory_space<vmem>>
    %dma_wait3A_18 = arith.constant 0 : i32
    %dma_wait3A_19 = arith.constant 0 : i32
    %dma_wait3A_20 = tpu.memref_slice %arg2[%dma_wait3A_18, %dma_wait3A_19] : memref<5120x1024xf32, #tpu.memory_space<hbm>> -> memref<5120x1024xf32, #tpu.memory_space<hbm>>
    tpu.wait_indirect_dma semaphore(%arg11 : memref<!tpu.dma_semaphore, #tpu.memory_space<semaphore_mem>>) src(%dma_wait3A_20 : memref<5120x1024xf32, #tpu.memory_space<hbm>>) dst(%arg9 : memref<32x1024xf32, #tpu.memory_space<vmem>>)
    %scan3A = arith.constant 0 : i32
    %scan3A_21 = arith.constant 0 : i32
    %scan3A_22 = arith.constant 2048 : i32
    %scan3A_23 = arith.addi %scan3A_21, %scan3A_22 : i32
    %scan3A_24 = arith.constant 1 : i32
    scf.for %scan3A_56 = %scan3A_21 to %scan3A_23 step %scan3A_24  : i32 {
      %jit3A = arith.constant 64 : i32
      %div3A = arith.divsi %scan3A_56, %jit3A : i32
      %sign3A = arith.constant 0 : i32
      %sign3A_57 = arith.cmpi sgt, %scan3A_56, %sign3A : i32
      %sign3A_58 = arith.extui %sign3A_57 : i1 to i32
      %sign3A_59 = arith.constant 0 : i32
      %sign3A_60 = arith.cmpi slt, %scan3A_56, %sign3A_59 : i32
      %sign3A_61 = arith.extui %sign3A_60 : i1 to i32
      %sign3A_62 = arith.subi %sign3A_58, %sign3A_61 : i32
      %sign3A_63 = arith.constant 0 : i32
      %sign3A_64 = arith.cmpi sgt, %jit3A, %sign3A_63 : i32
      %sign3A_65 = arith.extui %sign3A_64 : i1 to i32
      %sign3A_66 = arith.constant 0 : i32
      %sign3A_67 = arith.cmpi slt, %jit3A, %sign3A_66 : i32
      %sign3A_68 = arith.extui %sign3A_67 : i1 to i32
      %sign3A_69 = arith.subi %sign3A_65, %sign3A_68 : i32
      %ne3A = arith.cmpi ne, %sign3A_62, %sign3A_69 : i32
      %rem3A = arith.remsi %scan3A_56, %jit3A : i32
      %ne3A_70 = arith.constant 0 : i32
      %ne3A_71 = arith.cmpi ne, %rem3A, %ne3A_70 : i32
      %and3A = arith.andi %ne3A, %ne3A_71 : i1
      %sub3A = arith.constant 1 : i32
      %sub3A_72 = arith.subi %div3A, %sub3A : i32
      %select_n3A = arith.select %and3A, %sub3A_72, %div3A : i32
      %jit3A_73 = arith.constant 64 : i32
      %eq3A = arith.constant 0 : i32
      %eq3A_74 = arith.cmpi eq, %jit3A_73, %eq3A : i32
      %jit3A_75 = arith.constant 1 : i32
      %select_n3A_76 = arith.select %eq3A_74, %jit3A_75, %jit3A_73 : i32
      %rem3A_77 = arith.remsi %scan3A_56, %select_n3A_76 : i32
      %ne3A_78 = arith.constant 0 : i32
      %ne3A_79 = arith.cmpi ne, %rem3A_77, %ne3A_78 : i32
      %lt3A = arith.constant 0 : i32
      %lt3A_80 = arith.cmpi slt, %rem3A_77, %lt3A : i32
      %lt3A_81 = arith.constant 0 : i32
      %lt3A_82 = arith.cmpi slt, %select_n3A_76, %lt3A_81 : i32
      %ne3A_83 = arith.xori %lt3A_80, %lt3A_82 : i1
      %and3A_84 = arith.andi %ne3A_83, %ne3A_79 : i1
      %add3A_85 = arith.addi %rem3A_77, %select_n3A_76 : i32
      %select_n3A_86 = arith.select %and3A_84, %add3A_85, %rem3A_77 : i32
      %mul3A_87 = arith.constant 16 : i32
      %mul3A_88 = arith.muli %select_n3A_86, %mul3A_87 : i32
      %get3A = arith.index_cast %select_n3A : i32 to index
      %get3A_89 = arith.index_cast %mul3A_88 : i32 to index
      %get3A_90 = tpu.vector_load %arg8[%get3A, %get3A_89] {strides = array<i32>} : memref<32x1024xf32, #tpu.memory_space<vmem>>, vector<1x16xf32>,
      %get3A_91 = vector.shape_cast %get3A_90 : vector<1x16xf32> to vector<16xf32>
      %get3A_92 = arith.index_cast %select_n3A : i32 to index
      %get3A_93 = arith.index_cast %mul3A_88 : i32 to index
      %get3A_94 = tpu.vector_load %arg9[%get3A_92, %get3A_93] {strides = array<i32>} : memref<32x1024xf32, #tpu.memory_space<vmem>>, vector<1x16xf32>,
      %get3A_95 = vector.shape_cast %get3A_94 : vector<1x16xf32> to vector<16xf32>
      %add3A_96 = arith.addf %get3A_91, %get3A_95 : vector<16xf32>
      %swap3A = arith.index_cast %select_n3A : i32 to index
      %swap3A_97 = arith.index_cast %mul3A_88 : i32 to index
      %swap3A_98 = tpu.vector_load %arg8[%swap3A, %swap3A_97] {strides = array<i32>} : memref<32x1024xf32, #tpu.memory_space<vmem>>, vector<1x16xf32>,
      %swap3A_99 = vector.shape_cast %swap3A_98 : vector<1x16xf32> to vector<16xf32>
      %swap3A_100 = vector.shape_cast %add3A_96 : vector<16xf32> to vector<1x16xf32>
      tpu.vector_store %arg8[%swap3A, %swap3A_97], %swap3A_100 {strides = array<i32>} : memref<32x1024xf32, #tpu.memory_space<vmem>>, vector<1x16xf32>,
    }
    %scan3A_25 = arith.constant 2048 : i32
    %add3A_26 = arith.constant 0 : i32
    %add3A_27 = arith.addi %mul3A_2, %add3A_26 : i32
    "tpu.region"() ({
      %run_scoped3A = tpu.sem_alloc : memref<!tpu.dma_semaphore, #tpu.memory_space<semaphore_mem>>
      %dma_start3A_56 = arith.constant 0 : i32
      %dma_start3A_57 = tpu.memref_slice %arg5[%add3A_27, %dma_start3A_56] : memref<2048x1024xf32, #tpu.memory_space<hbm>> -> memref<32x1024xf32, #tpu.memory_space<hbm>>
      %dma_start3A_58 = arith.constant 0 : i32
      %dma_start3A_59 = tpu.memref_slice %arg5[%add3A_27, %dma_start3A_58] : memref<2048x1024xf32, #tpu.memory_space<hbm>> -> memref<32x1024xf32, #tpu.memory_space<hbm>>
      tpu.enqueue_dma source(%arg8 : memref<32x1024xf32, #tpu.memory_space<vmem>>) target(%dma_start3A_59 : memref<32x1024xf32, #tpu.memory_space<hbm>>) target_semaphore(%run_scoped3A : memref<!tpu.dma_semaphore, #tpu.memory_space<semaphore_mem>>)
      %dma_wait3A_60 = arith.constant 0 : i32
      %dma_wait3A_61 = tpu.memref_slice %arg5[%add3A_27, %dma_wait3A_60] : memref<2048x1024xf32, #tpu.memory_space<hbm>> -> memref<32x1024xf32, #tpu.memory_space<hbm>>
      %dma_wait3A_62 = arith.constant 0 : i32
      %dma_wait3A_63 = tpu.memref_slice %arg5[%add3A_27, %dma_wait3A_62] : memref<2048x1024xf32, #tpu.memory_space<hbm>> -> memref<32x1024xf32, #tpu.memory_space<hbm>>
      tpu.wait_dma2 semaphore(%run_scoped3A : memref<!tpu.dma_semaphore, #tpu.memory_space<semaphore_mem>>) src(%arg8 : memref<32x1024xf32, #tpu.memory_space<vmem>>) dst(%dma_wait3A_63 : memref<32x1024xf32, #tpu.memory_space<hbm>>)
      tpu.yield
    }) : () -> ()
    %dma_start3A_28 = arith.constant 32 : i32
    %dma_start3A_29 = tpu.memref_slice %arg6[%dma_start3A_28] : memref<64xi32, #tpu.memory_space<vmem>> -> memref<32xi32, #tpu.memory_space<vmem>>
    %dma_start3A_30 = arith.constant 0 : i32
    %dma_start3A_31 = arith.constant 0 : i32
    %dma_start3A_32 = tpu.memref_slice %arg2[%dma_start3A_30, %dma_start3A_31] : memref<5120x1024xf32, #tpu.memory_space<hbm>> -> memref<5120x1024xf32, #tpu.memory_space<hbm>>
    tpu.enqueue_indirect_dma source(%dma_start3A_32 : memref<5120x1024xf32, #tpu.memory_space<hbm>>) target(%arg8 : memref<32x1024xf32, #tpu.memory_space<vmem>>) offsets(%dma_start3A_29 : memref<32xi32, #tpu.memory_space<vmem>>) semaphore(%arg10 : memref<!tpu.dma_semaphore, #tpu.memory_space<semaphore_mem>>)
    %dma_start3A_33 = arith.constant 32 : i32
    %dma_start3A_34 = tpu.memref_slice %arg7[%dma_start3A_33] : memref<64xi32, #tpu.memory_space<vmem>> -> memref<32xi32, #tpu.memory_space<vmem>>
    %dma_start3A_35 = arith.constant 0 : i32
    %dma_start3A_36 = arith.constant 0 : i32
    %dma_start3A_37 = tpu.memref_slice %arg2[%dma_start3A_35, %dma_start3A_36] : memref<5120x1024xf32, #tpu.memory_space<hbm>> -> memref<5120x1024xf32, #tpu.memory_space<hbm>>
    tpu.enqueue_indirect_dma source(%dma_start3A_37 : memref<5120x1024xf32, #tpu.memory_space<hbm>>) target(%arg9 : memref<32x1024xf32, #tpu.memory_space<vmem>>) offsets(%dma_start3A_34 : memref<32xi32, #tpu.memory_space<vmem>>) semaphore(%arg11 : memref<!tpu.dma_semaphore, #tpu.memory_space<semaphore_mem>>)
    %dma_wait3A_38 = arith.constant 32 : i32
    %dma_wait3A_39 = tpu.memref_slice %arg6[%dma_wait3A_38] : memref<64xi32, #tpu.memory_space<vmem>> -> memref<32xi32, #tpu.memory_space<vmem>>
    %dma_wait3A_40 = arith.constant 0 : i32
    %dma_wait3A_41 = arith.constant 0 : i32
    %dma_wait3A_42 = tpu.memref_slice %arg2[%dma_wait3A_40, %dma_wait3A_41] : memref<5120x1024xf32, #tpu.memory_space<hbm>> -> memref<5120x1024xf32, #tpu.memory_space<hbm>>
    tpu.wait_indirect_dma semaphore(%arg10 : memref<!tpu.dma_semaphore, #tpu.memory_space<semaphore_mem>>) src(%dma_wait3A_42 : memref<5120x1024xf32, #tpu.memory_space<hbm>>) dst(%arg8 : memref<32x1024xf32, #tpu.memory_space<vmem>>)
    %dma_wait3A_43 = arith.constant 32 : i32
    %dma_wait3A_44 = tpu.memref_slice %arg7[%dma_wait3A_43] : memref<64xi32, #tpu.memory_space<vmem>> -> memref<32xi32, #tpu.memory_space<vmem>>
    %dma_wait3A_45 = arith.constant 0 : i32
    %dma_wait3A_46 = arith.constant 0 : i32
    %dma_wait3A_47 = tpu.memref_slice %arg2[%dma_wait3A_45, %dma_wait3A_46] : memref<5120x1024xf32, #tpu.memory_space<hbm>> -> memref<5120x1024xf32, #tpu.memory_space<hbm>>
    tpu.wait_indirect_dma semaphore(%arg11 : memref<!tpu.dma_semaphore, #tpu.memory_space<semaphore_mem>>) src(%dma_wait3A_47 : memref<5120x1024xf32, #tpu.memory_space<hbm>>) dst(%arg9 : memref<32x1024xf32, #tpu.memory_space<vmem>>)
    %scan3A_48 = arith.constant 0 : i32
    %scan3A_49 = arith.constant 0 : i32
    %scan3A_50 = arith.constant 2048 : i32
    %scan3A_51 = arith.addi %scan3A_49, %scan3A_50 : i32
    %scan3A_52 = arith.constant 1 : i32
    scf.for %scan3A_56 = %scan3A_49 to %scan3A_51 step %scan3A_52  : i32 {
      %jit3A = arith.constant 64 : i32
      %div3A = arith.divsi %scan3A_56, %jit3A : i32
      %sign3A = arith.constant 0 : i32
      %sign3A_57 = arith.cmpi sgt, %scan3A_56, %sign3A : i32
      %sign3A_58 = arith.extui %sign3A_57 : i1 to i32
      %sign3A_59 = arith.constant 0 : i32
      %sign3A_60 = arith.cmpi slt, %scan3A_56, %sign3A_59 : i32
      %sign3A_61 = arith.extui %sign3A_60 : i1 to i32
      %sign3A_62 = arith.subi %sign3A_58, %sign3A_61 : i32
      %sign3A_63 = arith.constant 0 : i32
      %sign3A_64 = arith.cmpi sgt, %jit3A, %sign3A_63 : i32
      %sign3A_65 = arith.extui %sign3A_64 : i1 to i32
      %sign3A_66 = arith.constant 0 : i32
      %sign3A_67 = arith.cmpi slt, %jit3A, %sign3A_66 : i32
      %sign3A_68 = arith.extui %sign3A_67 : i1 to i32
      %sign3A_69 = arith.subi %sign3A_65, %sign3A_68 : i32
      %ne3A = arith.cmpi ne, %sign3A_62, %sign3A_69 : i32
      %rem3A = arith.remsi %scan3A_56, %jit3A : i32
      %ne3A_70 = arith.constant 0 : i32
      %ne3A_71 = arith.cmpi ne, %rem3A, %ne3A_70 : i32
      %and3A = arith.andi %ne3A, %ne3A_71 : i1
      %sub3A = arith.constant 1 : i32
      %sub3A_72 = arith.subi %div3A, %sub3A : i32
      %select_n3A = arith.select %and3A, %sub3A_72, %div3A : i32
      %jit3A_73 = arith.constant 64 : i32
      %eq3A = arith.constant 0 : i32
      %eq3A_74 = arith.cmpi eq, %jit3A_73, %eq3A : i32
      %jit3A_75 = arith.constant 1 : i32
      %select_n3A_76 = arith.select %eq3A_74, %jit3A_75, %jit3A_73 : i32
      %rem3A_77 = arith.remsi %scan3A_56, %select_n3A_76 : i32
      %ne3A_78 = arith.constant 0 : i32
      %ne3A_79 = arith.cmpi ne, %rem3A_77, %ne3A_78 : i32
      %lt3A = arith.constant 0 : i32
      %lt3A_80 = arith.cmpi slt, %rem3A_77, %lt3A : i32
      %lt3A_81 = arith.constant 0 : i32
      %lt3A_82 = arith.cmpi slt, %select_n3A_76, %lt3A_81 : i32
      %ne3A_83 = arith.xori %lt3A_80, %lt3A_82 : i1
      %and3A_84 = arith.andi %ne3A_83, %ne3A_79 : i1
      %add3A_85 = arith.addi %rem3A_77, %select_n3A_76 : i32
      %select_n3A_86 = arith.select %and3A_84, %add3A_85, %rem3A_77 : i32
      %mul3A_87 = arith.constant 16 : i32
      %mul3A_88 = arith.muli %select_n3A_86, %mul3A_87 : i32
      %get3A = arith.index_cast %select_n3A : i32 to index
      %get3A_89 = arith.index_cast %mul3A_88 : i32 to index
      %get3A_90 = tpu.vector_load %arg8[%get3A, %get3A_89] {strides = array<i32>} : memref<32x1024xf32, #tpu.memory_space<vmem>>, vector<1x16xf32>,
      %get3A_91 = vector.shape_cast %get3A_90 : vector<1x16xf32> to vector<16xf32>
      %get3A_92 = arith.index_cast %select_n3A : i32 to index
      %get3A_93 = arith.index_cast %mul3A_88 : i32 to index
      %get3A_94 = tpu.vector_load %arg9[%get3A_92, %get3A_93] {strides = array<i32>} : memref<32x1024xf32, #tpu.memory_space<vmem>>, vector<1x16xf32>,
      %get3A_95 = vector.shape_cast %get3A_94 : vector<1x16xf32> to vector<16xf32>
      %add3A_96 = arith.addf %get3A_91, %get3A_95 : vector<16xf32>
      %swap3A = arith.index_cast %select_n3A : i32 to index
      %swap3A_97 = arith.index_cast %mul3A_88 : i32 to index
      %swap3A_98 = tpu.vector_load %arg8[%swap3A, %swap3A_97] {strides = array<i32>} : memref<32x1024xf32, #tpu.memory_space<vmem>>, vector<1x16xf32>,
      %swap3A_99 = vector.shape_cast %swap3A_98 : vector<1x16xf32> to vector<16xf32>
      %swap3A_100 = vector.shape_cast %add3A_96 : vector<16xf32> to vector<1x16xf32>
      tpu.vector_store %arg8[%swap3A, %swap3A_97], %swap3A_100 {strides = array<i32>} : memref<32x1024xf32, #tpu.memory_space<vmem>>, vector<1x16xf32>,
    }
    %scan3A_53 = arith.constant 2048 : i32
    %add3A_54 = arith.constant 32 : i32
    %add3A_55 = arith.addi %mul3A_2, %add3A_54 : i32
    "tpu.region"() ({
      %run_scoped3A = tpu.sem_alloc : memref<!tpu.dma_semaphore, #tpu.memory_space<semaphore_mem>>
      %dma_start3A_56 = arith.constant 0 : i32
      %dma_start3A_57 = tpu.memref_slice %arg5[%add3A_55, %dma_start3A_56] : memref<2048x1024xf32, #tpu.memory_space<hbm>> -> memref<32x1024xf32, #tpu.memory_space<hbm>>
      %dma_start3A_58 = arith.constant 0 : i32
      %dma_start3A_59 = tpu.memref_slice %arg5[%add3A_55, %dma_start3A_58] : memref<2048x1024xf32, #tpu.memory_space<hbm>> -> memref<32x1024xf32, #tpu.memory_space<hbm>>
      tpu.enqueue_dma source(%arg8 : memref<32x1024xf32, #tpu.memory_space<vmem>>) target(%dma_start3A_59 : memref<32x1024xf32, #tpu.memory_space<hbm>>) target_semaphore(%run_scoped3A : memref<!tpu.dma_semaphore, #tpu.memory_space<semaphore_mem>>)
      %dma_wait3A_60 = arith.constant 0 : i32
      %dma_wait3A_61 = tpu.memref_slice %arg5[%add3A_55, %dma_wait3A_60] : memref<2048x1024xf32, #tpu.memory_space<hbm>> -> memref<32x1024xf32, #tpu.memory_space<hbm>>
      %dma_wait3A_62 = arith.constant 0 : i32
      %dma_wait3A_63 = tpu.memref_slice %arg5[%add3A_55, %dma_wait3A_62] : memref<2048x1024xf32, #tpu.memory_space<hbm>> -> memref<32x1024xf32, #tpu.memory_space<hbm>>
      tpu.wait_dma2 semaphore(%run_scoped3A : memref<!tpu.dma_semaphore, #tpu.memory_space<semaphore_mem>>) src(%arg8 : memref<32x1024xf32, #tpu.memory_space<vmem>>) dst(%dma_wait3A_63 : memref<32x1024xf32, #tpu.memory_space<hbm>>)
      tpu.yield
    }) : () -> ()
    return
  }
}

#map = affine_map<(d0, d1) -> (0, 0)>
#map1 = affine_map<(d0, d1) -> (0)>
module attributes {stable_mosaic.version = 14 : i64} {
  func.func @_sc_gather_rows(%arg0: i32, %arg1: i32, %arg2: memref<2048x1024xf32, #tpu.memory_space<hbm>>, %arg3: memref<5120xi32, #tpu.memory_space<hbm>>, %arg4: memref<5120x1024xf32, #tpu.memory_space<hbm>>, %arg5: memref<160xi32, #tpu.memory_space<vmem>>, %arg6: memref<32x1024xf32, #tpu.memory_space<vmem>>, %arg7: memref<!tpu.dma_semaphore, #tpu.memory_space<semaphore_mem>>) attributes {dimension_semantics = [#tpu.dimension_semantics<core_parallel>, #tpu.dimension_semantics<subcore_parallel>], iteration_bounds = array<i64: 2, 16>, scalar_prefetch = 0 : i64, scratch_operands = 3 : i64, tpu.core_type = #tpu.core_type<sc_vector_subcore>, window_params = [{transform_indices = #map}, {transform_indices = #map1}, {transform_indices = #map}]} {
    %mul3A = arith.constant 2 : i32
    %mul3A_0 = arith.muli %arg1, %mul3A : i32
    %add3A = arith.addi %mul3A_0, %arg0 : i32
    %mul3A_1 = arith.constant 160 : i32
    %mul3A_2 = arith.muli %add3A, %mul3A_1 : i32
    "tpu.region"() ({
      %run_scoped3A = tpu.sem_alloc : memref<!tpu.dma_semaphore, #tpu.memory_space<semaphore_mem>>
      %dma_start3A_61 = tpu.memref_slice %arg3[%mul3A_2] : memref<5120xi32, #tpu.memory_space<hbm>> -> memref<160xi32, #tpu.memory_space<hbm>>
      %dma_start3A_62 = tpu.memref_slice %arg3[%mul3A_2] : memref<5120xi32, #tpu.memory_space<hbm>> -> memref<160xi32, #tpu.memory_space<hbm>>
      tpu.enqueue_dma source(%dma_start3A_62 : memref<160xi32, #tpu.memory_space<hbm>>) target(%arg5 : memref<160xi32, #tpu.memory_space<vmem>>) target_semaphore(%run_scoped3A : memref<!tpu.dma_semaphore, #tpu.memory_space<semaphore_mem>>)
      %dma_wait3A_63 = tpu.memref_slice %arg3[%mul3A_2] : memref<5120xi32, #tpu.memory_space<hbm>> -> memref<160xi32, #tpu.memory_space<hbm>>
      %dma_wait3A_64 = tpu.memref_slice %arg3[%mul3A_2] : memref<5120xi32, #tpu.memory_space<hbm>> -> memref<160xi32, #tpu.memory_space<hbm>>
      tpu.wait_dma2 semaphore(%run_scoped3A : memref<!tpu.dma_semaphore, #tpu.memory_space<semaphore_mem>>) src(%dma_wait3A_64 : memref<160xi32, #tpu.memory_space<hbm>>) dst(%arg5 : memref<160xi32, #tpu.memory_space<vmem>>)
      tpu.yield
    }) : () -> ()
    %dma_start3A = arith.constant 0 : i32
    %dma_start3A_3 = tpu.memref_slice %arg5[%dma_start3A] : memref<160xi32, #tpu.memory_space<vmem>> -> memref<32xi32, #tpu.memory_space<vmem>>
    %dma_start3A_4 = arith.constant 0 : i32
    %dma_start3A_5 = arith.constant 0 : i32
    %dma_start3A_6 = tpu.memref_slice %arg2[%dma_start3A_4, %dma_start3A_5] : memref<2048x1024xf32, #tpu.memory_space<hbm>> -> memref<2048x1024xf32, #tpu.memory_space<hbm>>
    tpu.enqueue_indirect_dma source(%dma_start3A_6 : memref<2048x1024xf32, #tpu.memory_space<hbm>>) target(%arg6 : memref<32x1024xf32, #tpu.memory_space<vmem>>) offsets(%dma_start3A_3 : memref<32xi32, #tpu.memory_space<vmem>>) semaphore(%arg7 : memref<!tpu.dma_semaphore, #tpu.memory_space<semaphore_mem>>)
    %dma_wait3A = arith.constant 0 : i32
    %dma_wait3A_7 = tpu.memref_slice %arg5[%dma_wait3A] : memref<160xi32, #tpu.memory_space<vmem>> -> memref<32xi32, #tpu.memory_space<vmem>>
    %dma_wait3A_8 = arith.constant 0 : i32
    %dma_wait3A_9 = arith.constant 0 : i32
    %dma_wait3A_10 = tpu.memref_slice %arg2[%dma_wait3A_8, %dma_wait3A_9] : memref<2048x1024xf32, #tpu.memory_space<hbm>> -> memref<2048x1024xf32, #tpu.memory_space<hbm>>
    tpu.wait_indirect_dma semaphore(%arg7 : memref<!tpu.dma_semaphore, #tpu.memory_space<semaphore_mem>>) src(%dma_wait3A_10 : memref<2048x1024xf32, #tpu.memory_space<hbm>>) dst(%arg6 : memref<32x1024xf32, #tpu.memory_space<vmem>>)
    %add3A_11 = arith.constant 0 : i32
    %add3A_12 = arith.addi %mul3A_2, %add3A_11 : i32
    "tpu.region"() ({
      %run_scoped3A = tpu.sem_alloc : memref<!tpu.dma_semaphore, #tpu.memory_space<semaphore_mem>>
      %dma_start3A_61 = arith.constant 0 : i32
      %dma_start3A_62 = tpu.memref_slice %arg4[%add3A_12, %dma_start3A_61] : memref<5120x1024xf32, #tpu.memory_space<hbm>> -> memref<32x1024xf32, #tpu.memory_space<hbm>>
      %dma_start3A_63 = arith.constant 0 : i32
      %dma_start3A_64 = tpu.memref_slice %arg4[%add3A_12, %dma_start3A_63] : memref<5120x1024xf32, #tpu.memory_space<hbm>> -> memref<32x1024xf32, #tpu.memory_space<hbm>>
      tpu.enqueue_dma source(%arg6 : memref<32x1024xf32, #tpu.memory_space<vmem>>) target(%dma_start3A_64 : memref<32x1024xf32, #tpu.memory_space<hbm>>) target_semaphore(%run_scoped3A : memref<!tpu.dma_semaphore, #tpu.memory_space<semaphore_mem>>)
      %dma_wait3A_65 = arith.constant 0 : i32
      %dma_wait3A_66 = tpu.memref_slice %arg4[%add3A_12, %dma_wait3A_65] : memref<5120x1024xf32, #tpu.memory_space<hbm>> -> memref<32x1024xf32, #tpu.memory_space<hbm>>
      %dma_wait3A_67 = arith.constant 0 : i32
      %dma_wait3A_68 = tpu.memref_slice %arg4[%add3A_12, %dma_wait3A_67] : memref<5120x1024xf32, #tpu.memory_space<hbm>> -> memref<32x1024xf32, #tpu.memory_space<hbm>>
      tpu.wait_dma2 semaphore(%run_scoped3A : memref<!tpu.dma_semaphore, #tpu.memory_space<semaphore_mem>>) src(%arg6 : memref<32x1024xf32, #tpu.memory_space<vmem>>) dst(%dma_wait3A_68 : memref<32x1024xf32, #tpu.memory_space<hbm>>)
      tpu.yield
    }) : () -> ()
    %dma_start3A_13 = arith.constant 32 : i32
    %dma_start3A_14 = tpu.memref_slice %arg5[%dma_start3A_13] : memref<160xi32, #tpu.memory_space<vmem>> -> memref<32xi32, #tpu.memory_space<vmem>>
    %dma_start3A_15 = arith.constant 0 : i32
    %dma_start3A_16 = arith.constant 0 : i32
    %dma_start3A_17 = tpu.memref_slice %arg2[%dma_start3A_15, %dma_start3A_16] : memref<2048x1024xf32, #tpu.memory_space<hbm>> -> memref<2048x1024xf32, #tpu.memory_space<hbm>>
    tpu.enqueue_indirect_dma source(%dma_start3A_17 : memref<2048x1024xf32, #tpu.memory_space<hbm>>) target(%arg6 : memref<32x1024xf32, #tpu.memory_space<vmem>>) offsets(%dma_start3A_14 : memref<32xi32, #tpu.memory_space<vmem>>) semaphore(%arg7 : memref<!tpu.dma_semaphore, #tpu.memory_space<semaphore_mem>>)
    %dma_wait3A_18 = arith.constant 32 : i32
    %dma_wait3A_19 = tpu.memref_slice %arg5[%dma_wait3A_18] : memref<160xi32, #tpu.memory_space<vmem>> -> memref<32xi32, #tpu.memory_space<vmem>>
    %dma_wait3A_20 = arith.constant 0 : i32
    %dma_wait3A_21 = arith.constant 0 : i32
    %dma_wait3A_22 = tpu.memref_slice %arg2[%dma_wait3A_20, %dma_wait3A_21] : memref<2048x1024xf32, #tpu.memory_space<hbm>> -> memref<2048x1024xf32, #tpu.memory_space<hbm>>
    tpu.wait_indirect_dma semaphore(%arg7 : memref<!tpu.dma_semaphore, #tpu.memory_space<semaphore_mem>>) src(%dma_wait3A_22 : memref<2048x1024xf32, #tpu.memory_space<hbm>>) dst(%arg6 : memref<32x1024xf32, #tpu.memory_space<vmem>>)
    %add3A_23 = arith.constant 32 : i32
    %add3A_24 = arith.addi %mul3A_2, %add3A_23 : i32
    "tpu.region"() ({
      %run_scoped3A = tpu.sem_alloc : memref<!tpu.dma_semaphore, #tpu.memory_space<semaphore_mem>>
      %dma_start3A_61 = arith.constant 0 : i32
      %dma_start3A_62 = tpu.memref_slice %arg4[%add3A_24, %dma_start3A_61] : memref<5120x1024xf32, #tpu.memory_space<hbm>> -> memref<32x1024xf32, #tpu.memory_space<hbm>>
      %dma_start3A_63 = arith.constant 0 : i32
      %dma_start3A_64 = tpu.memref_slice %arg4[%add3A_24, %dma_start3A_63] : memref<5120x1024xf32, #tpu.memory_space<hbm>> -> memref<32x1024xf32, #tpu.memory_space<hbm>>
      tpu.enqueue_dma source(%arg6 : memref<32x1024xf32, #tpu.memory_space<vmem>>) target(%dma_start3A_64 : memref<32x1024xf32, #tpu.memory_space<hbm>>) target_semaphore(%run_scoped3A : memref<!tpu.dma_semaphore, #tpu.memory_space<semaphore_mem>>)
      %dma_wait3A_65 = arith.constant 0 : i32
      %dma_wait3A_66 = tpu.memref_slice %arg4[%add3A_24, %dma_wait3A_65] : memref<5120x1024xf32, #tpu.memory_space<hbm>> -> memref<32x1024xf32, #tpu.memory_space<hbm>>
      %dma_wait3A_67 = arith.constant 0 : i32
      %dma_wait3A_68 = tpu.memref_slice %arg4[%add3A_24, %dma_wait3A_67] : memref<5120x1024xf32, #tpu.memory_space<hbm>> -> memref<32x1024xf32, #tpu.memory_space<hbm>>
      tpu.wait_dma2 semaphore(%run_scoped3A : memref<!tpu.dma_semaphore, #tpu.memory_space<semaphore_mem>>) src(%arg6 : memref<32x1024xf32, #tpu.memory_space<vmem>>) dst(%dma_wait3A_68 : memref<32x1024xf32, #tpu.memory_space<hbm>>)
      tpu.yield
    }) : () -> ()
    %dma_start3A_25 = arith.constant 64 : i32
    %dma_start3A_26 = tpu.memref_slice %arg5[%dma_start3A_25] : memref<160xi32, #tpu.memory_space<vmem>> -> memref<32xi32, #tpu.memory_space<vmem>>
    %dma_start3A_27 = arith.constant 0 : i32
    %dma_start3A_28 = arith.constant 0 : i32
    %dma_start3A_29 = tpu.memref_slice %arg2[%dma_start3A_27, %dma_start3A_28] : memref<2048x1024xf32, #tpu.memory_space<hbm>> -> memref<2048x1024xf32, #tpu.memory_space<hbm>>
    tpu.enqueue_indirect_dma source(%dma_start3A_29 : memref<2048x1024xf32, #tpu.memory_space<hbm>>) target(%arg6 : memref<32x1024xf32, #tpu.memory_space<vmem>>) offsets(%dma_start3A_26 : memref<32xi32, #tpu.memory_space<vmem>>) semaphore(%arg7 : memref<!tpu.dma_semaphore, #tpu.memory_space<semaphore_mem>>)
    %dma_wait3A_30 = arith.constant 64 : i32
    %dma_wait3A_31 = tpu.memref_slice %arg5[%dma_wait3A_30] : memref<160xi32, #tpu.memory_space<vmem>> -> memref<32xi32, #tpu.memory_space<vmem>>
    %dma_wait3A_32 = arith.constant 0 : i32
    %dma_wait3A_33 = arith.constant 0 : i32
    %dma_wait3A_34 = tpu.memref_slice %arg2[%dma_wait3A_32, %dma_wait3A_33] : memref<2048x1024xf32, #tpu.memory_space<hbm>> -> memref<2048x1024xf32, #tpu.memory_space<hbm>>
    tpu.wait_indirect_dma semaphore(%arg7 : memref<!tpu.dma_semaphore, #tpu.memory_space<semaphore_mem>>) src(%dma_wait3A_34 : memref<2048x1024xf32, #tpu.memory_space<hbm>>) dst(%arg6 : memref<32x1024xf32, #tpu.memory_space<vmem>>)
    %add3A_35 = arith.constant 64 : i32
    %add3A_36 = arith.addi %mul3A_2, %add3A_35 : i32
    "tpu.region"() ({
      %run_scoped3A = tpu.sem_alloc : memref<!tpu.dma_semaphore, #tpu.memory_space<semaphore_mem>>
      %dma_start3A_61 = arith.constant 0 : i32
      %dma_start3A_62 = tpu.memref_slice %arg4[%add3A_36, %dma_start3A_61] : memref<5120x1024xf32, #tpu.memory_space<hbm>> -> memref<32x1024xf32, #tpu.memory_space<hbm>>
      %dma_start3A_63 = arith.constant 0 : i32
      %dma_start3A_64 = tpu.memref_slice %arg4[%add3A_36, %dma_start3A_63] : memref<5120x1024xf32, #tpu.memory_space<hbm>> -> memref<32x1024xf32, #tpu.memory_space<hbm>>
      tpu.enqueue_dma source(%arg6 : memref<32x1024xf32, #tpu.memory_space<vmem>>) target(%dma_start3A_64 : memref<32x1024xf32, #tpu.memory_space<hbm>>) target_semaphore(%run_scoped3A : memref<!tpu.dma_semaphore, #tpu.memory_space<semaphore_mem>>)
      %dma_wait3A_65 = arith.constant 0 : i32
      %dma_wait3A_66 = tpu.memref_slice %arg4[%add3A_36, %dma_wait3A_65] : memref<5120x1024xf32, #tpu.memory_space<hbm>> -> memref<32x1024xf32, #tpu.memory_space<hbm>>
      %dma_wait3A_67 = arith.constant 0 : i32
      %dma_wait3A_68 = tpu.memref_slice %arg4[%add3A_36, %dma_wait3A_67] : memref<5120x1024xf32, #tpu.memory_space<hbm>> -> memref<32x1024xf32, #tpu.memory_space<hbm>>
      tpu.wait_dma2 semaphore(%run_scoped3A : memref<!tpu.dma_semaphore, #tpu.memory_space<semaphore_mem>>) src(%arg6 : memref<32x1024xf32, #tpu.memory_space<vmem>>) dst(%dma_wait3A_68 : memref<32x1024xf32, #tpu.memory_space<hbm>>)
      tpu.yield
    }) : () -> ()
    %dma_start3A_37 = arith.constant 96 : i32
    %dma_start3A_38 = tpu.memref_slice %arg5[%dma_start3A_37] : memref<160xi32, #tpu.memory_space<vmem>> -> memref<32xi32, #tpu.memory_space<vmem>>
    %dma_start3A_39 = arith.constant 0 : i32
    %dma_start3A_40 = arith.constant 0 : i32
    %dma_start3A_41 = tpu.memref_slice %arg2[%dma_start3A_39, %dma_start3A_40] : memref<2048x1024xf32, #tpu.memory_space<hbm>> -> memref<2048x1024xf32, #tpu.memory_space<hbm>>
    tpu.enqueue_indirect_dma source(%dma_start3A_41 : memref<2048x1024xf32, #tpu.memory_space<hbm>>) target(%arg6 : memref<32x1024xf32, #tpu.memory_space<vmem>>) offsets(%dma_start3A_38 : memref<32xi32, #tpu.memory_space<vmem>>) semaphore(%arg7 : memref<!tpu.dma_semaphore, #tpu.memory_space<semaphore_mem>>)
    %dma_wait3A_42 = arith.constant 96 : i32
    %dma_wait3A_43 = tpu.memref_slice %arg5[%dma_wait3A_42] : memref<160xi32, #tpu.memory_space<vmem>> -> memref<32xi32, #tpu.memory_space<vmem>>
    %dma_wait3A_44 = arith.constant 0 : i32
    %dma_wait3A_45 = arith.constant 0 : i32
    %dma_wait3A_46 = tpu.memref_slice %arg2[%dma_wait3A_44, %dma_wait3A_45] : memref<2048x1024xf32, #tpu.memory_space<hbm>> -> memref<2048x1024xf32, #tpu.memory_space<hbm>>
    tpu.wait_indirect_dma semaphore(%arg7 : memref<!tpu.dma_semaphore, #tpu.memory_space<semaphore_mem>>) src(%dma_wait3A_46 : memref<2048x1024xf32, #tpu.memory_space<hbm>>) dst(%arg6 : memref<32x1024xf32, #tpu.memory_space<vmem>>)
    %add3A_47 = arith.constant 96 : i32
    %add3A_48 = arith.addi %mul3A_2, %add3A_47 : i32
    "tpu.region"() ({
      %run_scoped3A = tpu.sem_alloc : memref<!tpu.dma_semaphore, #tpu.memory_space<semaphore_mem>>
      %dma_start3A_61 = arith.constant 0 : i32
      %dma_start3A_62 = tpu.memref_slice %arg4[%add3A_48, %dma_start3A_61] : memref<5120x1024xf32, #tpu.memory_space<hbm>> -> memref<32x1024xf32, #tpu.memory_space<hbm>>
      %dma_start3A_63 = arith.constant 0 : i32
      %dma_start3A_64 = tpu.memref_slice %arg4[%add3A_48, %dma_start3A_63] : memref<5120x1024xf32, #tpu.memory_space<hbm>> -> memref<32x1024xf32, #tpu.memory_space<hbm>>
      tpu.enqueue_dma source(%arg6 : memref<32x1024xf32, #tpu.memory_space<vmem>>) target(%dma_start3A_64 : memref<32x1024xf32, #tpu.memory_space<hbm>>) target_semaphore(%run_scoped3A : memref<!tpu.dma_semaphore, #tpu.memory_space<semaphore_mem>>)
      %dma_wait3A_65 = arith.constant 0 : i32
      %dma_wait3A_66 = tpu.memref_slice %arg4[%add3A_48, %dma_wait3A_65] : memref<5120x1024xf32, #tpu.memory_space<hbm>> -> memref<32x1024xf32, #tpu.memory_space<hbm>>
      %dma_wait3A_67 = arith.constant 0 : i32
      %dma_wait3A_68 = tpu.memref_slice %arg4[%add3A_48, %dma_wait3A_67] : memref<5120x1024xf32, #tpu.memory_space<hbm>> -> memref<32x1024xf32, #tpu.memory_space<hbm>>
      tpu.wait_dma2 semaphore(%run_scoped3A : memref<!tpu.dma_semaphore, #tpu.memory_space<semaphore_mem>>) src(%arg6 : memref<32x1024xf32, #tpu.memory_space<vmem>>) dst(%dma_wait3A_68 : memref<32x1024xf32, #tpu.memory_space<hbm>>)
      tpu.yield
    }) : () -> ()
    %dma_start3A_49 = arith.constant 128 : i32
    %dma_start3A_50 = tpu.memref_slice %arg5[%dma_start3A_49] : memref<160xi32, #tpu.memory_space<vmem>> -> memref<32xi32, #tpu.memory_space<vmem>>
    %dma_start3A_51 = arith.constant 0 : i32
    %dma_start3A_52 = arith.constant 0 : i32
    %dma_start3A_53 = tpu.memref_slice %arg2[%dma_start3A_51, %dma_start3A_52] : memref<2048x1024xf32, #tpu.memory_space<hbm>> -> memref<2048x1024xf32, #tpu.memory_space<hbm>>
    tpu.enqueue_indirect_dma source(%dma_start3A_53 : memref<2048x1024xf32, #tpu.memory_space<hbm>>) target(%arg6 : memref<32x1024xf32, #tpu.memory_space<vmem>>) offsets(%dma_start3A_50 : memref<32xi32, #tpu.memory_space<vmem>>) semaphore(%arg7 : memref<!tpu.dma_semaphore, #tpu.memory_space<semaphore_mem>>)
    %dma_wait3A_54 = arith.constant 128 : i32
    %dma_wait3A_55 = tpu.memref_slice %arg5[%dma_wait3A_54] : memref<160xi32, #tpu.memory_space<vmem>> -> memref<32xi32, #tpu.memory_space<vmem>>
    %dma_wait3A_56 = arith.constant 0 : i32
    %dma_wait3A_57 = arith.constant 0 : i32
    %dma_wait3A_58 = tpu.memref_slice %arg2[%dma_wait3A_56, %dma_wait3A_57] : memref<2048x1024xf32, #tpu.memory_space<hbm>> -> memref<2048x1024xf32, #tpu.memory_space<hbm>>
    tpu.wait_indirect_dma semaphore(%arg7 : memref<!tpu.dma_semaphore, #tpu.memory_space<semaphore_mem>>) src(%dma_wait3A_58 : memref<2048x1024xf32, #tpu.memory_space<hbm>>) dst(%arg6 : memref<32x1024xf32, #tpu.memory_space<vmem>>)
    %add3A_59 = arith.constant 128 : i32
    %add3A_60 = arith.addi %mul3A_2, %add3A_59 : i32
    "tpu.region"() ({
      %run_scoped3A = tpu.sem_alloc : memref<!tpu.dma_semaphore, #tpu.memory_space<semaphore_mem>>
      %dma_start3A_61 = arith.constant 0 : i32
      %dma_start3A_62 = tpu.memref_slice %arg4[%add3A_60, %dma_start3A_61] : memref<5120x1024xf32, #tpu.memory_space<hbm>> -> memref<32x1024xf32, #tpu.memory_space<hbm>>
      %dma_start3A_63 = arith.constant 0 : i32
      %dma_start3A_64 = tpu.memref_slice %arg4[%add3A_60, %dma_start3A_63] : memref<5120x1024xf32, #tpu.memory_space<hbm>> -> memref<32x1024xf32, #tpu.memory_space<hbm>>
      tpu.enqueue_dma source(%arg6 : memref<32x1024xf32, #tpu.memory_space<vmem>>) target(%dma_start3A_64 : memref<32x1024xf32, #tpu.memory_space<hbm>>) target_semaphore(%run_scoped3A : memref<!tpu.dma_semaphore, #tpu.memory_space<semaphore_mem>>)
      %dma_wait3A_65 = arith.constant 0 : i32
      %dma_wait3A_66 = tpu.memref_slice %arg4[%add3A_60, %dma_wait3A_65] : memref<5120x1024xf32, #tpu.memory_space<hbm>> -> memref<32x1024xf32, #tpu.memory_space<hbm>>
      %dma_wait3A_67 = arith.constant 0 : i32
      %dma_wait3A_68 = tpu.memref_slice %arg4[%add3A_60, %dma_wait3A_67] : memref<5120x1024xf32, #tpu.memory_space<hbm>> -> memref<32x1024xf32, #tpu.memory_space<hbm>>
      tpu.wait_dma2 semaphore(%run_scoped3A : memref<!tpu.dma_semaphore, #tpu.memory_space<semaphore_mem>>) src(%arg6 : memref<32x1024xf32, #tpu.memory_space<vmem>>) dst(%dma_wait3A_68 : memref<32x1024xf32, #tpu.memory_space<hbm>>)
      tpu.yield
    }) : () -> ()
    return
  }
}

module attributes {stable_mosaic.version = 14 : i64} {
  func.func @_router_body(%arg0: memref<2048x1024xf32, #tpu.memory_space<vmem>>, %arg1: memref<1024x128xf32, #tpu.memory_space<vmem>>, %arg2: memref<1x128xf32, #tpu.memory_space<vmem>>, %arg3: memref<2048x128xi32, #tpu.memory_space<vmem>>, %arg4: memref<2048x128xf32, #tpu.memory_space<vmem>>) attributes {dimension_semantics = [], scalar_prefetch = 0 : i64, scratch_operands = 0 : i64, tpu.core_type = #tpu.core_type<tc>} {
    %get3A = arith.constant 0 : index
    %get3A_0 = arith.constant 0 : index
    %get3A_1 = vector.load %arg0[%get3A, %get3A_0] : memref<2048x1024xf32, #tpu.memory_space<vmem>>, vector<2048x1024xf32>
    %get3A_2 = arith.constant 0 : index
    %get3A_3 = arith.constant 0 : index
    %get3A_4 = vector.load %arg1[%get3A_2, %get3A_3] : memref<1024x128xf32, #tpu.memory_space<vmem>>, vector<1024x128xf32>
    %dot_general3A = arith.constant dense<0.000000e+00> : vector<2048x128xf32>
    %dot_general3A_5 = tpu.matmul %get3A_1, %get3A_4, %dot_general3A {dimension_numbers = #tpu.dot_dimension_numbers<[1], [0], [0], [1], [0, 0, 1, 1], [], []>, transpose_lhs_hint = false} : vector<2048x1024xf32>, vector<1024x128xf32>, vector<2048x128xf32> -> vector<2048x128xf32>
    %get3A_6 = arith.constant 0 : index
    %get3A_7 = arith.constant 0 : index
    %get3A_8 = vector.load %arg2[%get3A_6, %get3A_7] : memref<1x128xf32, #tpu.memory_space<vmem>>, vector<1x128xf32>
    %add3A = vector.broadcast %get3A_8 : vector<1x128xf32> to vector<2048x128xf32>
    %add3A_9 = arith.addf %dot_general3A_5, %add3A : vector<2048x128xf32>
    %iota3A = tpu.iota {dimensions = array<i32: 1>} : vector<2048x128xi32>
    %lt3A = arith.constant 8 : i32
    %lt3A_10 = vector.broadcast %lt3A : i32 to vector<2048x128xi32>
    %lt3A_11 = arith.cmpi slt, %iota3A, %lt3A_10 : vector<2048x128xi32>
    %jit3A = arith.constant -1.000000e+30 : f32
    %broadcast_in_dim3A = vector.broadcast %jit3A : f32 to vector<2048x128xf32>
    %select_n3A = arith.select %lt3A_11, %add3A_9, %broadcast_in_dim3A : vector<2048x128xi1>, vector<2048x128xf32>
    %reduce_max3A = arith.constant dense<0xFF800000> : vector<2048xf32>
    %reduce_max3A_12 = vector.multi_reduction <maximumf>, %select_n3A, %reduce_max3A [1] : vector<2048x128xf32> to vector<2048xf32>
    %broadcast_in_dim3A_13 = vector.shape_cast %reduce_max3A_12 : vector<2048xf32> to vector<2048x1xf32>
    %eq3A = vector.broadcast %broadcast_in_dim3A_13 : vector<2048x1xf32> to vector<2048x128xf32>
    %eq3A_14 = arith.cmpf oeq, %select_n3A, %eq3A : vector<2048x128xf32>
    %jit3A_15 = arith.constant 128 : i32
    %broadcast_in_dim3A_16 = vector.broadcast %jit3A_15 : i32 to vector<2048x128xi32>
    %select_n3A_17 = arith.select %eq3A_14, %iota3A, %broadcast_in_dim3A_16 : vector<2048x128xi1>, vector<2048x128xi32>
    %reduce_min3A = arith.constant dense<2147483647> : vector<2048xi32>
    %reduce_min3A_18 = vector.multi_reduction <minsi>, %select_n3A_17, %reduce_min3A [1] : vector<2048x128xi32> to vector<2048xi32>
    %broadcast_in_dim3A_19 = vector.shape_cast %reduce_min3A_18 : vector<2048xi32> to vector<2048x1xi32>
    %eq3A_20 = vector.broadcast %broadcast_in_dim3A_19 : vector<2048x1xi32> to vector<2048x128xi32>
    %eq3A_21 = arith.cmpi eq, %iota3A, %eq3A_20 : vector<2048x128xi32>
    %jit3A_22 = arith.constant -1.000000e+30 : f32
    %broadcast_in_dim3A_23 = vector.broadcast %jit3A_22 : f32 to vector<2048x128xf32>
    %select_n3A_24 = arith.select %eq3A_21, %broadcast_in_dim3A_23, %select_n3A : vector<2048x128xi1>, vector<2048x128xf32>
    %reduce_max3A_25 = arith.constant dense<0xFF800000> : vector<2048xf32>
    %reduce_max3A_26 = vector.multi_reduction <maximumf>, %select_n3A_24, %reduce_max3A_25 [1] : vector<2048x128xf32> to vector<2048xf32>
    %broadcast_in_dim3A_27 = vector.shape_cast %reduce_max3A_26 : vector<2048xf32> to vector<2048x1xf32>
    %eq3A_28 = vector.broadcast %broadcast_in_dim3A_27 : vector<2048x1xf32> to vector<2048x128xf32>
    %eq3A_29 = arith.cmpf oeq, %select_n3A_24, %eq3A_28 : vector<2048x128xf32>
    %jit3A_30 = arith.constant 128 : i32
    %broadcast_in_dim3A_31 = vector.broadcast %jit3A_30 : i32 to vector<2048x128xi32>
    %select_n3A_32 = arith.select %eq3A_29, %iota3A, %broadcast_in_dim3A_31 : vector<2048x128xi1>, vector<2048x128xi32>
    %reduce_min3A_33 = arith.constant dense<2147483647> : vector<2048xi32>
    %reduce_min3A_34 = vector.multi_reduction <minsi>, %select_n3A_32, %reduce_min3A_33 [1] : vector<2048x128xi32> to vector<2048xi32>
    %broadcast_in_dim3A_35 = vector.shape_cast %reduce_min3A_34 : vector<2048xi32> to vector<2048x1xi32>
    %sub3A = arith.subf %broadcast_in_dim3A_27, %broadcast_in_dim3A_13 : vector<2048x1xf32>
    %exp3A = math.exp %sub3A : vector<2048x1xf32>
    %add3A_36 = arith.constant 1.000000e+00 : f32
    %add3A_37 = vector.broadcast %add3A_36 : f32 to vector<2048x1xf32>
    %add3A_38 = arith.addf %add3A_37, %exp3A : vector<2048x1xf32>
    %div3A = arith.constant 1.000000e+00 : f32
    %div3A_39 = vector.broadcast %div3A : f32 to vector<2048x1xf32>
    %div3A_40 = arith.divf %div3A_39, %add3A_38 : vector<2048x1xf32>
    %mul3A = arith.mulf %exp3A, %div3A_40 : vector<2048x1xf32>
    %eq3A_41 = arith.constant 0 : i32
    %eq3A_42 = vector.broadcast %eq3A_41 : i32 to vector<2048x128xi32>
    %eq3A_43 = arith.cmpi eq, %iota3A, %eq3A_42 : vector<2048x128xi32>
    %eq3A_44 = arith.constant 1 : i32
    %eq3A_45 = vector.broadcast %eq3A_44 : i32 to vector<2048x128xi32>
    %eq3A_46 = arith.cmpi eq, %iota3A, %eq3A_45 : vector<2048x128xi32>
    %jit3A_47 = arith.constant 0 : i32
    %broadcast_in_dim3A_48 = vector.shape_cast %broadcast_in_dim3A_35 : vector<2048x1xi32> to vector<2048x1xi32>
    %broadcast_in_dim3A_49 = vector.broadcast %broadcast_in_dim3A_48 : vector<2048x1xi32> to vector<2048x128xi32>
    %broadcast_in_dim3A_50 = vector.broadcast %jit3A_47 : i32 to vector<2048x128xi32>
    %select_n3A_51 = arith.select %eq3A_46, %broadcast_in_dim3A_49, %broadcast_in_dim3A_50 : vector<2048x128xi1>, vector<2048x128xi32>
    %broadcast_in_dim3A_52 = vector.shape_cast %broadcast_in_dim3A_19 : vector<2048x1xi32> to vector<2048x1xi32>
    %broadcast_in_dim3A_53 = vector.broadcast %broadcast_in_dim3A_52 : vector<2048x1xi32> to vector<2048x128xi32>
    %select_n3A_54 = arith.select %eq3A_43, %broadcast_in_dim3A_53, %select_n3A_51 : vector<2048x128xi1>, vector<2048x128xi32>
    %swap3A = arith.constant 0 : index
    %swap3A_55 = arith.constant 0 : index
    %swap3A_56 = vector.load %arg3[%swap3A, %swap3A_55] : memref<2048x128xi32, #tpu.memory_space<vmem>>, vector<2048x128xi32>
    tpu.vector_store %arg3[%swap3A, %swap3A_55], %select_n3A_54 {strides = array<i32>} : memref<2048x128xi32, #tpu.memory_space<vmem>>, vector<2048x128xi32>,
    %eq3A_57 = arith.constant 0 : i32
    %eq3A_58 = vector.broadcast %eq3A_57 : i32 to vector<2048x128xi32>
    %eq3A_59 = arith.cmpi eq, %iota3A, %eq3A_58 : vector<2048x128xi32>
    %eq3A_60 = arith.constant 1 : i32
    %eq3A_61 = vector.broadcast %eq3A_60 : i32 to vector<2048x128xi32>
    %eq3A_62 = arith.cmpi eq, %iota3A, %eq3A_61 : vector<2048x128xi32>
    %jit3A_63 = arith.constant 0.000000e+00 : f32
    %broadcast_in_dim3A_64 = vector.shape_cast %mul3A : vector<2048x1xf32> to vector<2048x1xf32>
    %broadcast_in_dim3A_65 = vector.broadcast %broadcast_in_dim3A_64 : vector<2048x1xf32> to vector<2048x128xf32>
    %broadcast_in_dim3A_66 = vector.broadcast %jit3A_63 : f32 to vector<2048x128xf32>
    %select_n3A_67 = arith.select %eq3A_62, %broadcast_in_dim3A_65, %broadcast_in_dim3A_66 : vector<2048x128xi1>, vector<2048x128xf32>
    %broadcast_in_dim3A_68 = vector.shape_cast %div3A_40 : vector<2048x1xf32> to vector<2048x1xf32>
    %broadcast_in_dim3A_69 = vector.broadcast %broadcast_in_dim3A_68 : vector<2048x1xf32> to vector<2048x128xf32>
    %select_n3A_70 = arith.select %eq3A_59, %broadcast_in_dim3A_69, %select_n3A_67 : vector<2048x128xi1>, vector<2048x128xf32>
    %swap3A_71 = arith.constant 0 : index
    %swap3A_72 = arith.constant 0 : index
    %swap3A_73 = vector.load %arg4[%swap3A_71, %swap3A_72] : memref<2048x128xf32, #tpu.memory_space<vmem>>, vector<2048x128xf32>
    tpu.vector_store %arg4[%swap3A_71, %swap3A_72], %select_n3A_70 {strides = array<i32>} : memref<2048x128xf32, #tpu.memory_space<vmem>>, vector<2048x128xf32>,
    return
  }
}

module attributes {stable_mosaic.version = 14 : i64} {
  func.func @_ffn_body(%arg0: i32, %arg1: i32, %arg2: memref<40xi32, #tpu.memory_space<smem>>, %arg3: memref<40xi32, #tpu.memory_space<smem>>, %arg4: memref<128x1024xf32, #tpu.memory_space<vmem>>, %arg5: memref<1x1024x512xf32, #tpu.memory_space<vmem>>, %arg6: memref<1x1x512xf32, #tpu.memory_space<vmem>>, %arg7: memref<1x512x1024xf32, #tpu.memory_space<vmem>>, %arg8: memref<1x1x1024xf32, #tpu.memory_space<vmem>>, %arg9: memref<128x128xf32, #tpu.memory_space<vmem>>, %arg10: memref<128x1024xf32, #tpu.memory_space<vmem>>) attributes {dimension_semantics = [#tpu.dimension_semantics<arbitrary>, #tpu.dimension_semantics<arbitrary>], iteration_bounds = array<i64: 40, 8>, scalar_prefetch = 2 : i64, scratch_operands = 0 : i64, tpu.core_type = #tpu.core_type<tc>, window_params = [{transform_indices = @transform_0, window_bounds = array<i64: 128, 1024>}, {transform_indices = @transform_1, window_bounds = array<i64: 1, 1024, 512>}, {transform_indices = @transform_2, window_bounds = array<i64: 1, 1, 512>}, {transform_indices = @transform_3, window_bounds = array<i64: 1, 512, 1024>}, {transform_indices = @transform_4, window_bounds = array<i64: 1, 1, 1024>}, {transform_indices = @transform_5, window_bounds = array<i64: 128, 128>}, {transform_indices = @transform_6, window_bounds = array<i64: 128, 1024>}]} {
    %eq3A = arith.constant 0 : i32
    %eq3A_0 = arith.cmpi eq, %arg1, %eq3A : i32
    %convert_element_type3A = arith.extui %eq3A_0 : i1 to i32
    %cond3A = arith.constant 0 : i32
    %cond3A_1 = arith.cmpi ne, %convert_element_type3A, %cond3A : i32
    scf.if %cond3A_1 {
      %broadcast_in_dim3A = arith.constant 0.000000e+00 : f32
      %broadcast_in_dim3A_13 = vector.broadcast %broadcast_in_dim3A : f32 to vector<128x1024xf32>
      %swap3A = arith.constant 0 : index
      %swap3A_14 = arith.constant 0 : index
      %swap3A_15 = vector.load %arg10[%swap3A, %swap3A_14] : memref<128x1024xf32, #tpu.memory_space<vmem>>, vector<128x1024xf32>
      tpu.vector_store %arg10[%swap3A, %swap3A_14], %broadcast_in_dim3A_13 {strides = array<i32>} : memref<128x1024xf32, #tpu.memory_space<vmem>>, vector<128x1024xf32>,
    } else {
    }
    %get3A = arith.index_cast %arg0 : i32 to index
    %get3A_2 = memref.load %arg3[%get3A] : memref<40xi32, #tpu.memory_space<smem>>
    %eq3A_3 = arith.constant 1 : i32
    %eq3A_4 = arith.cmpi eq, %get3A_2, %eq3A_3 : i32
    %convert_element_type3A_5 = arith.extui %eq3A_4 : i1 to i32
    %cond3A_6 = arith.constant 0 : i32
    %cond3A_7 = arith.cmpi ne, %convert_element_type3A_5, %cond3A_6 : i32
    scf.if %cond3A_7 {
      %get3A_13 = arith.constant 0 : index
      %get3A_14 = arith.constant 0 : index
      %get3A_15 = vector.load %arg4[%get3A_13, %get3A_14] : memref<128x1024xf32, #tpu.memory_space<vmem>>, vector<128x1024xf32>
      %get3A_16 = arith.constant 0 : index
      %get3A_17 = arith.constant 0 : index
      %get3A_18 = arith.constant 0 : index
      %get3A_19 = vector.load %arg5[%get3A_16, %get3A_17, %get3A_18] : memref<1x1024x512xf32, #tpu.memory_space<vmem>>, vector<1x1024x512xf32>
      %get3A_20 = vector.shape_cast %get3A_19 : vector<1x1024x512xf32> to vector<1024x512xf32>
      %dot_general3A = arith.constant dense<0.000000e+00> : vector<128x512xf32>
      %dot_general3A_21 = tpu.matmul %get3A_15, %get3A_20, %dot_general3A {dimension_numbers = #tpu.dot_dimension_numbers<[1], [0], [0], [1], [0, 0, 1, 1], [], []>, transpose_lhs_hint = false} : vector<128x1024xf32>, vector<1024x512xf32>, vector<128x512xf32> -> vector<128x512xf32>
      %get3A_22 = arith.constant 0 : index
      %get3A_23 = arith.constant 0 : index
      %get3A_24 = arith.constant 0 : index
      %get3A_25 = vector.load %arg6[%get3A_22, %get3A_23, %get3A_24] : memref<1x1x512xf32, #tpu.memory_space<vmem>>, vector<1x1x512xf32>
      %get3A_26 = vector.shape_cast %get3A_25 : vector<1x1x512xf32> to vector<1x512xf32>
      %add3A = vector.broadcast %get3A_26 : vector<1x512xf32> to vector<128x512xf32>
      %add3A_27 = arith.addf %dot_general3A_21, %add3A : vector<128x512xf32>
      %mul3A = arith.constant 5.000000e-01 : f32
      %mul3A_28 = vector.broadcast %mul3A : f32 to vector<128x512xf32>
      %mul3A_29 = arith.mulf %mul3A_28, %add3A_27 : vector<128x512xf32>
      %mul3A_30 = arith.constant 4.471500e-02 : f32
      %mul3A_31 = vector.broadcast %mul3A_30 : f32 to vector<128x512xf32>
      %mul3A_32 = arith.mulf %mul3A_31, %add3A_27 : vector<128x512xf32>
      %mul3A_33 = arith.mulf %mul3A_32, %add3A_27 : vector<128x512xf32>
      %mul3A_34 = arith.mulf %mul3A_33, %add3A_27 : vector<128x512xf32>
      %add3A_35 = arith.addf %add3A_27, %mul3A_34 : vector<128x512xf32>
      %mul3A_36 = arith.constant 0.797884583 : f32
      %mul3A_37 = vector.broadcast %mul3A_36 : f32 to vector<128x512xf32>
      %mul3A_38 = arith.mulf %mul3A_37, %add3A_35 : vector<128x512xf32>
      %tanh3A = math.tanh %mul3A_38 : vector<128x512xf32>
      %add3A_39 = arith.constant 1.000000e+00 : f32
      %add3A_40 = vector.broadcast %add3A_39 : f32 to vector<128x512xf32>
      %add3A_41 = arith.addf %add3A_40, %tanh3A : vector<128x512xf32>
      %mul3A_42 = arith.mulf %mul3A_29, %add3A_41 : vector<128x512xf32>
      %get3A_43 = arith.constant 0 : index
      %get3A_44 = arith.constant 0 : index
      %get3A_45 = vector.load %arg10[%get3A_43, %get3A_44] : memref<128x1024xf32, #tpu.memory_space<vmem>>, vector<128x1024xf32>
      %get3A_46 = arith.constant 0 : index
      %get3A_47 = arith.constant 0 : index
      %get3A_48 = arith.constant 0 : index
      %get3A_49 = vector.load %arg7[%get3A_46, %get3A_47, %get3A_48] : memref<1x512x1024xf32, #tpu.memory_space<vmem>>, vector<1x512x1024xf32>
      %get3A_50 = vector.shape_cast %get3A_49 : vector<1x512x1024xf32> to vector<512x1024xf32>
      %dot_general3A_51 = arith.constant dense<0.000000e+00> : vector<128x1024xf32>
      %dot_general3A_52 = tpu.matmul %mul3A_42, %get3A_50, %dot_general3A_51 {dimension_numbers = #tpu.dot_dimension_numbers<[1], [0], [0], [1], [0, 0, 1, 1], [], []>, transpose_lhs_hint = false} : vector<128x512xf32>, vector<512x1024xf32>, vector<128x1024xf32> -> vector<128x1024xf32>
      %add3A_53 = arith.addf %get3A_45, %dot_general3A_52 : vector<128x1024xf32>
      %swap3A = arith.constant 0 : index
      %swap3A_54 = arith.constant 0 : index
      %swap3A_55 = vector.load %arg10[%swap3A, %swap3A_54] : memref<128x1024xf32, #tpu.memory_space<vmem>>, vector<128x1024xf32>
      tpu.vector_store %arg10[%swap3A, %swap3A_54], %add3A_53 {strides = array<i32>} : memref<128x1024xf32, #tpu.memory_space<vmem>>, vector<128x1024xf32>,
    } else {
    }
    %eq3A_8 = arith.constant 7 : i32
    %eq3A_9 = arith.cmpi eq, %arg1, %eq3A_8 : i32
    %and3A = arith.andi %eq3A_4, %eq3A_9 : i1
    %convert_element_type3A_10 = arith.extui %and3A : i1 to i32
    %cond3A_11 = arith.constant 0 : i32
    %cond3A_12 = arith.cmpi ne, %convert_element_type3A_10, %cond3A_11 : i32
    scf.if %cond3A_12 {
      %get3A_13 = arith.constant 0 : index
      %get3A_14 = arith.constant 0 : index
      %get3A_15 = vector.load %arg10[%get3A_13, %get3A_14] : memref<128x1024xf32, #tpu.memory_space<vmem>>, vector<128x1024xf32>
      %get3A_16 = arith.constant 0 : index
      %get3A_17 = arith.constant 0 : index
      %get3A_18 = arith.constant 0 : index
      %get3A_19 = vector.load %arg8[%get3A_16, %get3A_17, %get3A_18] : memref<1x1x1024xf32, #tpu.memory_space<vmem>>, vector<1x1x1024xf32>
      %get3A_20 = vector.shape_cast %get3A_19 : vector<1x1x1024xf32> to vector<1x1024xf32>
      %add3A = vector.broadcast %get3A_20 : vector<1x1024xf32> to vector<128x1024xf32>
      %add3A_21 = arith.addf %get3A_15, %add3A : vector<128x1024xf32>
      %get3A_22 = arith.constant 0 : index
      %get3A_23 = arith.constant 0 : index
      %get3A_24 = vector.load %arg9[%get3A_22, %get3A_23] : memref<128x128xf32, #tpu.memory_space<vmem>>, vector<128x1xf32>
      %mul3A = vector.broadcast %get3A_24 : vector<128x1xf32> to vector<128x1024xf32>
      %mul3A_25 = arith.mulf %add3A_21, %mul3A : vector<128x1024xf32>
      %swap3A = arith.constant 0 : index
      %swap3A_26 = arith.constant 0 : index
      %swap3A_27 = vector.load %arg10[%swap3A, %swap3A_26] : memref<128x1024xf32, #tpu.memory_space<vmem>>, vector<128x1024xf32>
      tpu.vector_store %arg10[%swap3A, %swap3A_26], %mul3A_25 {strides = array<i32>} : memref<128x1024xf32, #tpu.memory_space<vmem>>, vector<128x1024xf32>,
    } else {
    }
    return
  }
  func.func @transform_0(%arg0: i32, %arg1: i32, %arg2: memref<40xi32, #tpu.memory_space<smem>>, %arg3: memref<40xi32, #tpu.memory_space<smem>>) -> (i32, i32) {
    %c0_i32 = arith.constant 0 : i32
    %c0_i32_0 = arith.constant 0 : i32
    return %arg0, %c0_i32 : i32, i32
  }
  func.func @transform_1(%arg0: i32, %arg1: i32, %arg2: memref<40xi32, #tpu.memory_space<smem>>, %arg3: memref<40xi32, #tpu.memory_space<smem>>) -> (i32, i32, i32) {
    %get3A = arith.index_cast %arg0 : i32 to index
    %get3A_0 = memref.load %arg2[%get3A] : memref<40xi32, #tpu.memory_space<smem>>
    %c0_i32 = arith.constant 0 : i32
    %c0_i32_1 = arith.constant 0 : i32
    return %get3A_0, %c0_i32, %arg1 : i32, i32, i32
  }
  func.func @transform_2(%arg0: i32, %arg1: i32, %arg2: memref<40xi32, #tpu.memory_space<smem>>, %arg3: memref<40xi32, #tpu.memory_space<smem>>) -> (i32, i32, i32) {
    %get3A = arith.index_cast %arg0 : i32 to index
    %get3A_0 = memref.load %arg2[%get3A] : memref<40xi32, #tpu.memory_space<smem>>
    %c0_i32 = arith.constant 0 : i32
    %c0_i32_1 = arith.constant 0 : i32
    return %get3A_0, %c0_i32, %arg1 : i32, i32, i32
  }
  func.func @transform_3(%arg0: i32, %arg1: i32, %arg2: memref<40xi32, #tpu.memory_space<smem>>, %arg3: memref<40xi32, #tpu.memory_space<smem>>) -> (i32, i32, i32) {
    %get3A = arith.index_cast %arg0 : i32 to index
    %get3A_0 = memref.load %arg2[%get3A] : memref<40xi32, #tpu.memory_space<smem>>
    %c0_i32 = arith.constant 0 : i32
    %c0_i32_1 = arith.constant 0 : i32
    return %get3A_0, %arg1, %c0_i32 : i32, i32, i32
  }
  func.func @transform_4(%arg0: i32, %arg1: i32, %arg2: memref<40xi32, #tpu.memory_space<smem>>, %arg3: memref<40xi32, #tpu.memory_space<smem>>) -> (i32, i32, i32) {
    %get3A = arith.index_cast %arg0 : i32 to index
    %get3A_0 = memref.load %arg2[%get3A] : memref<40xi32, #tpu.memory_space<smem>>
    %c0_i32 = arith.constant 0 : i32
    %c0_i32_1 = arith.constant 0 : i32
    %c0_i32_2 = arith.constant 0 : i32
    return %get3A_0, %c0_i32, %c0_i32_1 : i32, i32, i32
  }
  func.func @transform_5(%arg0: i32, %arg1: i32, %arg2: memref<40xi32, #tpu.memory_space<smem>>, %arg3: memref<40xi32, #tpu.memory_space<smem>>) -> (i32, i32) {
    %c0_i32 = arith.constant 0 : i32
    %c0_i32_0 = arith.constant 0 : i32
    return %arg0, %c0_i32 : i32, i32
  }
  func.func @transform_6(%arg0: i32, %arg1: i32, %arg2: memref<40xi32, #tpu.memory_space<smem>>, %arg3: memref<40xi32, #tpu.memory_space<smem>>) -> (i32, i32) {
    %c0_i32 = arith.constant 0 : i32
    %c0_i32_0 = arith.constant 0 : i32
    return %arg0, %c0_i32 : i32, i32
  }
}

</mosaic_0001>

<sc_bundles>
// kernel: gather_offload_async_start
scs
__scs_entry_jumppad:
0x0: {  	(pc) =	sbr.rel $0x88, $3  }
0x1: {  	(tag) =	ssettag $0x0;
	lr =	simm.s32 $0x1  }
0x2: {  	[smem:$0x3F9A] =	sst lr;
	_ =	strace $0xD0000000  }
0x3: {  	_ = 	snop  }
0x4: {  	_ = 	snop  }
0x5: {  	_ = 	snop  }
0x6: {  	_ = 	snop  }
0x7: {  	_ = 	snop  }
__scs_overlays_trampoline_lowered:
0x8: {  	[smem:$0x3FA9] =	sst s0  }
0x9: {  	[smem:$0x3FAA] =	sst s1  }
0xa: {  	[smem:$0x3FAB] =	sst s2  }
0xb: {  	[smem:$0x3FAC] =	sst s3  }
0xc: {  	[smem:$0x3FAD] =	sst s4  }
0xd: {  	[smem:$0x3FAE] =	sst s5  }
0xe: {  	[smem:$0x3FAF] =	sst s6  }
0xf: {  	[smem:$0x3FB0] =	sst s7  }
0x10: {  	[smem:$0x3FB1] =	sst s8  }
0x11: {  	[smem:$0x3FB2] =	sst s9;
	s0 =	simm.s32 @!p0 $0x0  }
0x12: {  	s1 =	sld [smem:$0x3F98];
	s0 =	simm.s32 @p0 $0x1  }
0x13: {  	[smem:$0x3FB3] =	sst s0;
	s0 =	simm.s32 @!p1 $0x0  }
0x14: {  	s2 =	sld [smem:$0x3F97];
	s0 =	simm.s32 @p1 $0x1  }
0x15: {  	[smem:$0x3FB4] =	sst s0;
	s0 =	simm.s32 @!p2 $0x0  }
0x16: {  	s3 =	sld [smem:$0x3FDB];
	s0 =	simm.s32 @p2 $0x1  }
0x17: {  	s4 =	simm.s32 $0x1BF5;
	[smem:$0x3FB6] =	sst s0  }
0x18: {  	s0 =	sld [smem:$0x3F99];
	_ =	swait.ge [sflag:s4], $0x0  }
0x19: {  	s7 =	sld [smem:$0x3F9A]  }
0x1a: {  	s8 =	sadd.s32 $0xFFFFE003, lr  }
0x1b: {  	s9 =	sadd.s32 $0xFFFFFEF7, lr;
	s5 =	simm.s32 $0xFFFFFFFF;
	p2 =	slt.u32 s8, $0xFFFFF086  }
0x1c: {  	p1 =	slt.u32 s9, $0xF7A;
	s5 =	simm.s32 @!p2 $0x0  }
0x1d: {  	s5 =	simm.s32 @p1 $0x1;
	p0 =	seq.s32 s7, s2  }
0x1e: {  	s7 =	smul.u32 @!p0 $0xF7A, s2;
	p2 =	seq.s32 @!p0 s5, $0x0  }
0x1f: {  	s9 =	smul.u32 $0xF7A, s1;
	s8 =	simm.s32 @!p0 $0x1BF5;
	p2 =	por !p2, p0  }
0x20: {  	[sflag:s8] =	ssyncset.s32 @!p0 $0xFFFFF086;
	s6 =	sadd.s32 @!p0 s3, s7;
	s7 =	simm.s32 @!p0 $0x108  }
0x21: {  	s3 =	sadd.s32 s3, s9;
	s6 =	sadd.s32 @!p0 $0x88, s6;
	s7 =	simm.s32 @p2 $0x1082  }
0x22: {  	[simem:s7], [sflag:s8] =	dma.local @!p0 [hbm:s6], $0xF7A  }
0x23: {  	s9 =	sor.u32 $0xD0000000, s2;
	s6 =	simm.s32 $0x108;
	_ =	swait.ge @!p0 [sflag:s8], $0x0  }
0x24: {  	s3 =	sadd.s32 $0x88, s3;
	s6 =	simm.s32 @!p1 $0x1082;
	[sflag:s4] =	ssyncset.s32 $0xFFFFF086  }
0x25: {  	[simem:s6], [sflag:s4] =	dma.local [hbm:s3], $0xF7A  }
0x26: {  	[smem:$0x3F9A] =	sst s1;
	(tag) =	ssettag s2;
	_ =	strace s9  }
0x27: {  	s1 =	sld [smem:$0x3FAA]  }
0x28: {  	s2 =	sld [smem:$0x3FAB]  }
0x29: {  	s4 =	sld [smem:$0x3FAD]  }
0x2a: {  	p0 =	seq.s32 s5, $0x0;
	s5 =	sld [smem:$0x3FAE]  }
0x2b: {  	s6 =	sld [smem:$0x3FAF]  }
0x2c: {  	s7 =	sld [smem:$0x3FB0]  }
0x2d: {  	s3 =	simm.s32 $0x108;
	s8 =	sld [smem:$0x3FB1]  }
0x2e: {  	s3 =	simm.s32 @!p0 $0x1082;
	s9 =	sld [smem:$0x3FB2]  }
0x2f: {  	lr =	sadd.s32 s0, s3;
	s0 =	sld [smem:$0x3FA9]  }
0x30: {  	s3 =	sld [smem:$0x3FAC]  }
0x31: {  	[smem:$0x3FB5] =	sst s10  }
0x32: {  	s10 =	sld [smem:$0x3FB3];
	_ =	sdelay $0x3  }
0x33: {  	p0 =	seq.s32 s10, $0x1;
	s10 =	sld [smem:$0x3FB5];
	_ =	sdelay $0x3  }
0x34: {  	[smem:$0x3FB5] =	sst s10  }
0x35: {  	s10 =	sld [smem:$0x3FB4];
	_ =	sdelay $0x3  }
0x36: {  	p1 =	seq.s32 s10, $0x1;
	s10 =	sld [smem:$0x3FB5];
	_ =	sdelay $0x3  }
0x37: {  	[smem:$0x3FB5] =	sst s10  }
0x38: {  	s10 =	sld [smem:$0x3FB6]  }
0x39: {  	_ = 	snop;
	(pc) =	sbr.ind lr, $3  }
0x3a: {  	_ = 	snop  }
0x3b: {  	_ = 	snop  }
0x3c: {  	p2 =	seq.s32 s10, $0x1;
	s10 =	sld [smem:$0x3FB5]  }
0x3d: {  	_ =	shalt  }
0x3e: {  	_ =	shalt  }
0x3f: {  	_ =	shalt  }
0x40: {  	_ =	shalt  }
0x41: {  	_ =	shalt  }
0x42: {  	_ =	shalt  }
0x43: {  	_ =	shalt  }
0x44: {  	_ =	shalt  }
0x45: {  	_ =	shalt  }
0x46: {  	_ =	shalt  }
0x47: {  	_ =	shalt  }
0x48: {  	_ =	shalt  }
0x49: {  	_ =	shalt  }
0x4a: {  	_ =	shalt  }
0x4b: {  	_ =	shalt  }
0x4c: {  	_ =	shalt  }
0x4d: {  	_ =	shalt  }
0x4e: {  	_ =	shalt  }
0x4f: {  	_ =	shalt  }
0x50: {  	_ =	shalt  }
0x51: {  	_ =	shalt  }
0x52: {  	_ =	shalt  }
0x53: {  	_ =	shalt  }
0x54: {  	_ =	shalt  }
0x55: {  	_ =	shalt  }
0x56: {  	_ =	shalt  }
0x57: {  	_ =	shalt  }
0x58: {  	_ =	shalt  }
0x59: {  	_ =	shalt  }
0x5a: {  	_ =	shalt  }
0x5b: {  	_ =	shalt  }
0x5c: {  	_ =	shalt  }
0x5d: {  	_ =	shalt  }
0x5e: {  	_ =	shalt  }
0x5f: {  	_ =	shalt  }
0x60: {  	_ =	shalt  }
0x61: {  	_ =	shalt  }
0x62: {  	_ =	shalt  }
0x63: {  	_ =	shalt  }
0x64: {  	_ =	shalt  }
0x65: {  	_ =	shalt  }
0x66: {  	_ =	shalt  }
0x67: {  	_ =	shalt  }
0x68: {  	_ =	shalt  }
0x69: {  	_ =	shalt  }
0x6a: {  	_ =	shalt  }
0x6b: {  	_ =	shalt  }
0x6c: {  	_ =	shalt  }
0x6d: {  	_ =	shalt  }
0x6e: {  	_ =	shalt  }
0x6f: {  	_ =	shalt  }
0x70: {  	_ =	shalt  }
0x71: {  	_ =	shalt  }
0x72: {  	_ =	shalt  }
0x73: {  	_ =	shalt  }
0x74: {  	_ =	shalt  }
0x75: {  	_ =	shalt  }
0x76: {  	_ =	shalt  }
0x77: {  	_ =	shalt  }
0x78: {  	_ =	shalt  }
0x79: {  	_ =	shalt  }
0x7a: {  	_ =	shalt  }
0x7b: {  	_ =	shalt  }
0x7c: {  	_ =	shalt  }
0x7d: {  	_ =	shalt  }
0x7e: {  	_ =	shalt  }
0x7f: {  	_ =	shalt  }
0x80: {  	_ =	shalt  }
0x81: {  	_ =	shalt  }
0x82: {  	_ =	shalt  }
0x83: {  	_ =	shalt  }
0x84: {  	_ =	shalt  }
0x85: {  	_ =	shalt  }
0x86: {  	_ =	shalt  }
0x87: {  	_ =	shalt  }
.Lfunc_end0:
.L_simem_size_0:
called_computation_lowered:
.L_overlay_start_0:
0x88: {  	s2 =	sld [smem:$0x3FD9]  }
0x89: {  	s3 =	sld [smem:$0x3FFE];
	_ =	sdelay $0x1  }
0x8a: {  	s1 =	srdreg.scid  }
0x8b: {  	s0 =	sand.u32 $0x1, s1  }
0x8c: {  	s17 =	sshll.u32 s0, $0xA;
	s2 =	sadd.s32 s3, s2  }
0x8d: {  	s2 =	sadd.s32 s2, s17  }
0x8e: {  	[smem:$0x3FC1] =	sst s2  }
0x8f: {  	_ = 	snop  }
0x90: {  	s2 =	sld [smem:$0x3FD0];
	(tm) =	ssettm $0x1  }
0x91: {  	s18 =	sld [smem:$0x3FFB];
	_ =	sdelay $0x3  }
0x92: {  	_ =	strace s18  }
0x93: {  	s3 =	sld [smem:$0x3FFC];
	_ =	sdelay $0x3  }
0x94: {  	_ =	strace s3  }
0x95: {  	s3 =	sld [smem:$0x3FFD];
	_ =	sdelay $0x3  }
0x96: {  	_ =	strace s3  }
0x97: {  	_ =	strace $0x8FFFFFFF  }
0x98: {  	s19 =	sld [smem:$0x3FDB];
	_ =	sdelay $0x1  }
0x99: {  	s4 =	simm.s32 $_scs_section_size  }
0x9a: {  	s5 =	simm.s32 $_size__tile_overlayer_lowered;
	s6 =	simm.s32 $_tile_overlayer_lowered  }
0x9b: {  	s22 =	simm.s32 $0x1BFF;
	s21 =	sshll.u32 s6, $0x1;
	s3 =	sadd.s32 s4, s19  }
0x9c: {  	s7 =	simm.s32 $0x0;
	s20 =	sshll.u32 s5, $0x1;
	s5 =	sadd.s32 s21, s3  }
0x9d: {  	[timem:s7], [sflag:s22] =	dma.local [hbm:s5], s20  }
0x9e: {  	_ =	swait.ge [sflag:s22], s20  }
0x9f: {  	s4 =	ssub.s32 $0x0, s20;
	[sflag:s22] =	ssyncset.done $0x0  }
0xa0: {  	[sflag:s22] =	ssyncadd.s32 s4;
	_ =	sdelay $0x1  }
0xa1: {  	s23 =	simm.s32 $0x1B8B  }
0xa2: {  	_ =	swait.ge [sflag:s23], $0x1  }
0xa3: {  	[sflag:s23] =	ssyncset.done $0x0  }
0xa4: {  	s25 =	simm.s32 $0x1B8E;
	s24 =	sld [smem:$0x3FFE];
	[sflag:s23] =	ssyncadd.s32 $0xFFFFFFFF  }
0xa5: {  	s26 =	simm.s32 $execute0_lowered;
	[smem:$0x3FD2] =	sst s25  }
0xa6: {  	s5 =	sshll.u32 s26, $0x1;
	_ =	strace $0x80000046;
	[dreg:$0x1] =	wrdreg $0xFFFFFFFF  }
0xa7: {  	s28 =	simm.s32 $_size_execute0_lowered;
	s3 =	sadd.s32 s3, s5;
	[dreg:$0x0] =	wrdreg $0x0  }
0xa8: {  	s5 =	sshll.u32 s28, $0x1;
	[dreg:$0x2] =	wrdreg s3  }
0xa9: {  	[dreg:$0x3] =	wrdreg s5  }
0xaa: {  	[dreg:$0x4] =	wrdreg $0xC0  }
0xab: {  	_ =	task [dreg:s7], $0x5FFFF  }
0xac: {  	[dreg:$0x1] =	wrdreg $0xFFFFFFFF  }
0xad: {  	[dreg:$0x0] =	wrdreg $0x60  }
0xae: {  	[dreg:$0x2] =	wrdreg s2  }
0xaf: {  	[dreg:$0x3] =	wrdreg s24  }
0xb0: {  	[dreg:$0x4] =	wrdreg $0x9  }
0xb1: {  	_ =	task.clear_ibuf [dreg:s7], $0x5FFFF;
	_ =	strace $0x90000046  }
0xb2: {  	s29 =	simm.s32 $0x9;
	_ =	strace $0x80000048  }
0xb3: {  	_ =	swait.ge [sflag:s29], $0x1  }
0xb4: {  	[sflag:s29] =	ssyncadd.s32 $0xFFFFFFFF  }
0xb5: {  	_ =	strace $0x90000048  }
0xb6: {  	_ =	sfence  }
0xb7: {  	s30 =	sld [smem:$0x0];
	_ =	sdelay $0x2  }
0xb8: {  	s31 =	sshll.u32 s1, $0xD;
	s1 =	sshrl.u32 s1, $0x2  }
0xb9: {  	s3 =	sand.u32 $0x4000, s31;
	s1 =	sadd.s32 s1, s30  }
0xba: {  	s0 =	sor.u32 s3, s0;
	s1 =	sshll.u32 s1, $0x11  }
0xbb: {  	s0 =	sor.u32 s1, s0  }
0xbc: {  	s0 =	sadd.s32 $0x8F2B, s0  }
0xbd: {  	[sflag:s0] =	ssyncadd.remote.s32 $0x1  }
0xbe: {  	_ =	sfence.sel $0xFFFF  }
0xbf: {  	[dreg:$0x0] =	wrdreg $0xFFFFFFFF;
	(pc) =	sbr.abs _section_cstart, $3  }
0xc0: {  	[dreg:$0x1] =	wrdreg $0xFFFFFFFF  }
0xc1: {  	_ =	task.clear_ibuf [dreg:s7], $0x2FFFF;
	_ =	strace $0x9FFFFFFF  }
0xc2: {  	(tm) =	ssettm $0x7FFFFFFF  }
0xc3: {  	_ =	shalt  }
tec
execute0_lowered:
.L_overlay_start_1:
0x0: {  	(tag) =	ssettag $0x1  }
0x1: {  	s1 =	srdreg.scid;
	s2 =	rddreg [dreg:$0x0]  }
0x2: {  	s0 =	stileid.u32;
	s3 =	rddreg [dreg:$0x1]  }
0x3: {  	s6 =	simm.s32 $0x1;
	s9 =	simm.s32 $0x1;
	s1 =	sshll.u32 s1, $0x6  }
0x4: {  	s10 =	simm.s32 $0x3;
	s4 =	sshll.u32 s0, $0x7;
	s5 =	sand.u32 $0x40, s1  }
0x5: {  	s13 =	simm.s32 $0x0;
	s12 =	simm.s32 $0x0;
	s4 =	sor.u32 s4, s5  }
0x6: {  	s1 =	rddreg [dreg:$0x2];
	_ =	strace $0x80000047;
	s8 =	ssub.s32 $0x1000, s4  }
.Ltmp0:
0x7: {  	s5 =	sadd.s32 $0x200, s3;
	s7 =	sand.u32 $0x7C0, s8;
	(pc) =	sbr.rel .LBB2_1-.Ltmp0, $4  }
0x8: {  	[sflag:s6] =	ssyncpa.u1 $0x0;
	s11 =	smov.u32 s4;
	p0 =	sne.s32 s7, $0x0  }
0x9: {  	s8 =	sshrl.u32 s8, $0xB;
	s7 =	simm.s32 $0x2;
	s9 =	simm.s32 @!p0 $0x0  }
0xa: {  	[sflag:s7] =	ssyncpa.u1 $0x0;
	p0 =	por $0x0, $0x0;
	s8 =	sadd.s32 s9, s8  }
0xb: {  	vm0 =	vmmov $0xffff;
	[sflag:s10] =	ssyncpa.u1 $0x0;
	s10 =	simm.s32 $0x0;
	s9 =	sadd.s32 $0x1, s8  }
.LBB2_4:
0xc: {  	v1 =	vsel vm1, $0xFFFFFFFF, v1;
	v2 =	vand.u32 $0x7, v2  }
0xd: {  	v2 =	vsel vm1, $0xFFFFFFFF, v2;
	v3 =	vshll.u32 v1, $0x3  }
0xe: {  	v4 =	vand.u32 $0xFFFF8000, v2;
	v3 =	vand.u32 $0xFFFFFC00, v3;
	v2 =	vshll.u32 v2, $0x7  }
0xf: {  	v3 =	vadd.s32 v3, v4;
	v2 =	vand.u32 $0x380, v2  }
0x10: {  	v1 =	vand.u32 $0x7F, v1;
	v2 =	vor.u32 v2, v3  }
0x11: {  	v1 =	vor.u32 v1, v2;
	_ =	sdelay $0x1  }
0x12: {  	(ifvalue) =	ssetifvalue $0x7FFFFFFF;
	s15 =	sadd.s32 $0x10, s15  }
0x13: {  	[tilespmem:s15], [sflag:$0x1] =	stream.indirect_vreg.gather [hbm4b:s2+s10], $0x1, v0, vm0, $0x4038;
	[tilespmem:$0x100] =	vst v63  }
0x14: {  	(ifvalue) =	ssetifvalue $0x7FFFFFFF;
	s15 =	sadd.s32 $0x10, s15  }
0x15: {  	[tilespmem:s15], [sflag:$0x1] =	stream.indirect_vreg.gather [hbm4b:s2+s10], $0x1, v1, vm0, $0x4038;
	[tilespmem:$0x100] =	vst v63  }
0x16: {  	_ =	swait.ge [sflag:s6], $0x40  }
0x17: {  	s30 =	sshrl.u32 s13, $0x3;
	[sflag:s6] =	ssyncset.done $0x0  }
0x18: {  	s31 =	sand.u32 $0x7, s13;
	s15 =	sadd.s32 s5, s30;
	[sflag:s6] =	ssyncadd.s32 $0xFFFFFFC0  }
0x19: {  	[hbm4b:s15+s31] =	stream.linear.scatter [tilespmem:s14], [sflag:$0x3], $0x40, $0x38;
	[tilespmem:$0x100] =	vst v63  }
.LBB2_5:
0x1a: {  	s15 =	sadd.s32 $0x800, s11  }
0x1b: {  	p2 =	sgt.s32 s15, $0xFFF  }
0x1c: {  	s15 =	smov.u32 @p2 s4;
	p2 =	sne.s32 s12, s9  }
.Ltmp1:
0x1d: {  	p1 =	slt.u32 s12, $0x2;
	(pc) =	sbr.rel @!p2 .LBB2_6-.Ltmp1, $4  }
0x1e: {  	s14 =	simm.s32 @!p1 $0x3  }
0x1f: {  	s16 =	sadd.s32 $0x1, s12;
	_ =	swait.ge @!p1 [sflag:s14], $0x40  }
0x20: {  	s13 =	smov.u32 s11;
	p0 =	por !p0, !p0;
	[sflag:s14] =	ssyncset.done @!p1 $0x0  }
0x21: {  	s12 =	smov.u32 s16;
	s11 =	smov.u32 s15;
	[sflag:s14] =	ssyncadd.s32 @!p1 $0xFFFFFFC0  }
.LBB2_1:
0x22: {  	p1 =	sge.u32 s12, s8  }
0x23: {  	s14 =	sxor.u32 @!p1 $0xFFFFFFFF, s12  }
0x24: {  	s31 =	sadd.s32 $0xFFFFFFFF, s12;
	s15 =	sshrl.u32 @!p1 s11, $0x3;
	s14 =	sshll.u32 @!p1 s14, $0x6  }
0x25: {  	s16 =	sand.u32 @!p1 $0x7, s11;
	s15 =	sadd.s32 @!p1 s3, s15;
	s14 =	sand.u32 @!p1 $0x40, s14  }
0x26: {  	[tilespmem:s14], [sflag:$0x2] =	stream.linear.gather @!p1 [hbm4b:s15+s16], $0x40, $0x38;
	[tilespmem:$0x100] =	vst v63  }
0x27: {  	p1 =	sge.u32 s31, s8  }
.Ltmp2:
0x28: {  	_ = 	snop;
	(pc) =	sbr.rel @p1 .LBB2_5-.Ltmp2, $1  }
0x29: {  	_ =	sdelay $0x3  }
0x2a: {  	s14 =	simm.s32 $0x1  }
0x2b: {  	_ =	swait.ge [sflag:s7], $0x40;
	s14 =	simm.s32 @!p0 $0x0  }
0x2c: {  	[sflag:s7] =	ssyncset.done $0x0;
	s14 =	sshll.u32 s14, $0x6  }
0x2d: {  	[sflag:s7] =	ssyncadd.s32 $0xFFFFFFC0;
	(ifvalue) =	ssetifvalue $0x7FFFFFFF;
	v0 =	vld.msk [tilespmem:s14+$0x0 ss:$0x1], $0xffff;
	_ =	sdelay $0x3  }
0x2e: {  	s15 =	sadd.s32 $0x10, s14  }
0x2f: {  	v2 =	vld.msk [tilespmem:s15+$0x0 ss:$0x1], $0xffff;
	vm1 =	veq.s32 v0, $0x80000000;
	v1 =	vand.u32 $0xFFF, v0;
	v0 =	vshrl.u32 v0, $0xC  }
0x30: {  	v1 =	vsel vm1, $0xFFFFFFFF, v1;
	v0 =	vand.u32 $0x7, v0  }
0x31: {  	v0 =	vsel vm1, $0xFFFFFFFF, v0;
	v3 =	vshll.u32 v1, $0x3  }
0x32: {  	v4 =	vand.u32 $0xFFFF8000, v0;
	v3 =	vand.u32 $0xFFFFFC00, v3;
	v0 =	vshll.u32 v0, $0x7  }
0x33: {  	v3 =	vadd.s32 v3, v4;
	v0 =	vand.u32 $0x380, v0  }
0x34: {  	v1 =	vand.u32 $0x7F, v1;
	vm1 =	veq.s32 v2, $0x80000000;
	v0 =	vor.u32 v0, v3  }
0x35: {  	v0 =	vor.u32 v1, v0;
	v1 =	vand.u32 $0xFFF, v2;
	v2 =	vshrl.u32 v2, $0xC  }
0x36: {  	s17 =	sadd.s32 $0x10, s15;
	v1 =	vsel vm1, $0xFFFFFFFF, v1;
	v2 =	vand.u32 $0x7, v2  }
0x37: {  	v3 =	vld.msk [tilespmem:s17+$0x0 ss:$0x1], $0xffff;
	v2 =	vsel vm1, $0xFFFFFFFF, v2;
	v63 =	vshll.u32 v1, $0x3  }
0x38: {  	v5 =	vand.u32 $0xFFFF8000, v2;
	v4 =	vand.u32 $0xFFFFFC00, v63;
	v2 =	vshll.u32 v2, $0x7  }
0x39: {  	s31 =	sshll.u32 s12, $0x6;
	s15 =	sor.u32 $0x80, s14;
	(ifvalue) =	ssetifvalue $0x7FFFFFFF;
	v4 =	vadd.s32 v4, v5;
	v2 =	vand.u32 $0x380, v2  }
0x3a: {  	[tilespmem:s15], [sflag:$0x1] =	stream.indirect_vreg.gather [hbm4b:s2+s10], $0x1, v0, vm0, $0x4038;
	v0 =	vand.u32 $0x7F, v1;
	v1 =	vor.u32 v2, v4;
	[tilespmem:$0x100] =	vst v63  }
0x3b: {  	s14 =	sand.u32 $0x40, s31;
	v0 =	vor.u32 v0, v1  }
0x3c: {  	s16 =	simm.s32 $0x20;
	s14 =	sor.u32 $0x80, s14;
	s17 =	sadd.s32 $0x10, s17;
	vm1 =	veq.s32 v3, $0x80000000;
	v2 =	vshrl.u32 v3, $0xC;
	v1 =	vand.u32 $0xFFF, v3  }
.LBB2_3:
0x3d: {  	v3 =	vld.msk [tilespmem:s17+$0x0 ss:$0x1], $0xffff;
	s16 =	sadd.s32 $0x10, s16;
	v1 =	vsel vm1, $0xFFFFFFFF, v1;
	v2 =	vand.u32 $0x7, v2  }
0x3e: {  	p1 =	slt.u32 s16, $0x30;
	v2 =	vsel vm1, $0xFFFFFFFF, v2;
	v4 =	vshll.u32 v1, $0x3  }
.Ltmp3:
0x3f: {  	s15 =	sadd.s32 $0x10, s15;
	v5 =	vand.u32 $0xFFFF8000, v2;
	v4 =	vand.u32 $0xFFFFFC00, v4;
	v2 =	vshll.u32 v2, $0x7;
	(ifvalue) =	ssetifvalue $0x7FFFFFFF;
	(pc) =	sbr.rel @p1 .LBB2_3-.Ltmp3, $4  }
0x40: {  	v4 =	vadd.s32 v4, v5;
	v2 =	vand.u32 $0x380, v2;
	[tilespmem:s15], [sflag:$0x1] =	stream.indirect_vreg.gather [hbm4b:s2+s10], $0x1, v0, vm0, $0x4038;
	[tilespmem:$0x100] =	vst v63  }
0x41: {  	v0 =	vand.u32 $0x7F, v1;
	v1 =	vor.u32 v2, v4  }
0x42: {  	v0 =	vor.u32 v0, v1  }
0x43: {  	s17 =	sadd.s32 $0x10, s17;
	vm1 =	veq.s32 v3, $0x80000000;
	v1 =	vand.u32 $0xFFF, v3;
	v2 =	vshrl.u32 v3, $0xC  }
.Ltmp4:
0x44: {  	_ = 	snop;
	(pc) =	sbr.rel .LBB2_4-.Ltmp4, $1  }
0x45: {  	_ =	sdelay $0x3  }
.LBB2_6:
0x46: {  	_ =	sfence.sel $0x180000  }
0x47: {  	s2 =	simm.s32 $0x2;
	[bflag:$0x0] =	sbarrier.arrive $0xFFFF  }
0x48: {  	s30 =	simm.s32 $0x3;
	[sflag:s2] =	ssyncpa.u1 $0x1  }
0x49: {  	s31 =	simm.s32 $0x1;
	[sflag:s30] =	ssyncpa.u1 $0x1  }
0x4a: {  	[sflag:s31] =	ssyncpa.u1 $0x1  }
0x4b: {  	p0 =	sne.s32 s0, $0x0;
	_ =	strace $0x90000047  }
0x4c: {  	s0 =	sadd.s32 @!p0 $0x100000, s1;
	[bflag:$0x2] =	sbarrier.arrive $0xFFFF  }
0x4d: {  	[sflag:s0] =	ssyncadd.tile.s32 @!p0 $0x1;
	_ =	shalt  }
.Lfunc_end2:
_tile_overlayer_lowered:
.L_overlay_start_2:
0x4e: {  	(tag) =	ssettag $0x2  }
0x4f: {  	s0 =	rddreg [dreg:$0x0];
	s2 =	stileid.u32  }
0x50: {  	s1 =	rddreg [dreg:$0x1];
	p0 =	sne.s32 s2, $0x0  }
0x51: {  	s3 =	rddreg [dreg:$0x2];
	[bflag:$0x3] =	sbarrier.arrive $0xFFFF;
	s2 =	simm.s32 @!p0 $0x1C01  }
0x52: {  	[timem:s3], [sflag:s2] =	dma.local @!p0 [hbm:s0], s1  }
0x53: {  	s0 =	simm.s32 @!p0 $0x1  }
0x54: {  	_ =	swait.ge @!p0 [sflag:s0], s1  }
0x55: {  	s1 =	ssub.s32 @!p0 $0x0, s1;
	[sflag:s0] =	ssyncset.done @!p0 $0x0  }
0x56: {  	[sflag:s0] =	ssyncadd.s32 @!p0 s1  }
0x57: {  	[bflag:$0x3] =	sbarrier.arrive $0xFFFF  }
0x58: {  	_ =	shalt  }

// kernel: kernel.6.cloned.1.call-start
scs
__scs_entry_jumppad:
0x0: {  	(pc) =	sbr.rel $0x88, $3  }
0x1: {  	(tag) =	ssettag $0x0;
	lr =	simm.s32 $0x1  }
0x2: {  	[smem:$0x3F9A] =	sst lr;
	_ =	strace $0xD0000000  }
0x3: {  	_ = 	snop  }
0x4: {  	_ = 	snop  }
0x5: {  	_ = 	snop  }
0x6: {  	_ = 	snop  }
0x7: {  	_ = 	snop  }
__scs_overlays_trampoline_lowered:
0x8: {  	[smem:$0x3FA9] =	sst s0  }
0x9: {  	[smem:$0x3FAA] =	sst s1  }
0xa: {  	[smem:$0x3FAB] =	sst s2  }
0xb: {  	[smem:$0x3FAC] =	sst s3  }
0xc: {  	[smem:$0x3FAD] =	sst s4  }
0xd: {  	[smem:$0x3FAE] =	sst s5  }
0xe: {  	[smem:$0x3FAF] =	sst s6  }
0xf: {  	[smem:$0x3FB0] =	sst s7  }
0x10: {  	[smem:$0x3FB1] =	sst s8  }
0x11: {  	[smem:$0x3FB2] =	sst s9;
	s0 =	simm.s32 @!p0 $0x0  }
0x12: {  	s1 =	sld [smem:$0x3F98];
	s0 =	simm.s32 @p0 $0x1  }
0x13: {  	[smem:$0x3FB3] =	sst s0;
	s0 =	simm.s32 @!p1 $0x0  }
0x14: {  	s2 =	sld [smem:$0x3F97];
	s0 =	simm.s32 @p1 $0x1  }
0x15: {  	[smem:$0x3FB4] =	sst s0;
	s0 =	simm.s32 @!p2 $0x0  }
0x16: {  	s3 =	sld [smem:$0x3FDB];
	s0 =	simm.s32 @p2 $0x1  }
0x17: {  	s4 =	simm.s32 $0x1BF5;
	[smem:$0x3FB6] =	sst s0  }
0x18: {  	s0 =	sld [smem:$0x3F99];
	_ =	swait.ge [sflag:s4], $0x0  }
0x19: {  	s7 =	sld [smem:$0x3F9A]  }
0x1a: {  	s8 =	sadd.s32 $0xFFFFE003, lr  }
0x1b: {  	s9 =	sadd.s32 $0xFFFFFEF7, lr;
	s5 =	simm.s32 $0xFFFFFFFF;
	p2 =	slt.u32 s8, $0xFFFFF086  }
0x1c: {  	p1 =	slt.u32 s9, $0xF7A;
	s5 =	simm.s32 @!p2 $0x0  }
0x1d: {  	s5 =	simm.s32 @p1 $0x1;
	p0 =	seq.s32 s7, s2  }
0x1e: {  	s7 =	smul.u32 @!p0 $0xF7A, s2;
	p2 =	seq.s32 @!p0 s5, $0x0  }
0x1f: {  	s9 =	smul.u32 $0xF7A, s1;
	s8 =	simm.s32 @!p0 $0x1BF5;
	p2 =	por !p2, p0  }
0x20: {  	[sflag:s8] =	ssyncset.s32 @!p0 $0xFFFFF086;
	s6 =	sadd.s32 @!p0 s3, s7;
	s7 =	simm.s32 @!p0 $0x108  }
0x21: {  	s3 =	sadd.s32 s3, s9;
	s6 =	sadd.s32 @!p0 $0x88, s6;
	s7 =	simm.s32 @p2 $0x1082  }
0x22: {  	[simem:s7], [sflag:s8] =	dma.local @!p0 [hbm:s6], $0xF7A  }
0x23: {  	s9 =	sor.u32 $0xD0000000, s2;
	s6 =	simm.s32 $0x108;
	_ =	swait.ge @!p0 [sflag:s8], $0x0  }
0x24: {  	s3 =	sadd.s32 $0x88, s3;
	s6 =	simm.s32 @!p1 $0x1082;
	[sflag:s4] =	ssyncset.s32 $0xFFFFF086  }
0x25: {  	[simem:s6], [sflag:s4] =	dma.local [hbm:s3], $0xF7A  }
0x26: {  	[smem:$0x3F9A] =	sst s1;
	(tag) =	ssettag s2;
	_ =	strace s9  }
0x27: {  	s1 =	sld [smem:$0x3FAA]  }
0x28: {  	s2 =	sld [smem:$0x3FAB]  }
0x29: {  	s4 =	sld [smem:$0x3FAD]  }
0x2a: {  	p0 =	seq.s32 s5, $0x0;
	s5 =	sld [smem:$0x3FAE]  }
0x2b: {  	s6 =	sld [smem:$0x3FAF]  }
0x2c: {  	s7 =	sld [smem:$0x3FB0]  }
0x2d: {  	s3 =	simm.s32 $0x108;
	s8 =	sld [smem:$0x3FB1]  }
0x2e: {  	s3 =	simm.s32 @!p0 $0x1082;
	s9 =	sld [smem:$0x3FB2]  }
0x2f: {  	lr =	sadd.s32 s0, s3;
	s0 =	sld [smem:$0x3FA9]  }
0x30: {  	s3 =	sld [smem:$0x3FAC]  }
0x31: {  	[smem:$0x3FB5] =	sst s10  }
0x32: {  	s10 =	sld [smem:$0x3FB3];
	_ =	sdelay $0x3  }
0x33: {  	p0 =	seq.s32 s10, $0x1;
	s10 =	sld [smem:$0x3FB5];
	_ =	sdelay $0x3  }
0x34: {  	[smem:$0x3FB5] =	sst s10  }
0x35: {  	s10 =	sld [smem:$0x3FB4];
	_ =	sdelay $0x3  }
0x36: {  	p1 =	seq.s32 s10, $0x1;
	s10 =	sld [smem:$0x3FB5];
	_ =	sdelay $0x3  }
0x37: {  	[smem:$0x3FB5] =	sst s10  }
0x38: {  	s10 =	sld [smem:$0x3FB6]  }
0x39: {  	_ = 	snop;
	(pc) =	sbr.ind lr, $3  }
0x3a: {  	_ = 	snop  }
0x3b: {  	_ = 	snop  }
0x3c: {  	p2 =	seq.s32 s10, $0x1;
	s10 =	sld [smem:$0x3FB5]  }
0x3d: {  	_ =	shalt  }
0x3e: {  	_ =	shalt  }
0x3f: {  	_ =	shalt  }
0x40: {  	_ =	shalt  }
0x41: {  	_ =	shalt  }
0x42: {  	_ =	shalt  }
0x43: {  	_ =	shalt  }
0x44: {  	_ =	shalt  }
0x45: {  	_ =	shalt  }
0x46: {  	_ =	shalt  }
0x47: {  	_ =	shalt  }
0x48: {  	_ =	shalt  }
0x49: {  	_ =	shalt  }
0x4a: {  	_ =	shalt  }
0x4b: {  	_ =	shalt  }
0x4c: {  	_ =	shalt  }
0x4d: {  	_ =	shalt  }
0x4e: {  	_ =	shalt  }
0x4f: {  	_ =	shalt  }
0x50: {  	_ =	shalt  }
0x51: {  	_ =	shalt  }
0x52: {  	_ =	shalt  }
0x53: {  	_ =	shalt  }
0x54: {  	_ =	shalt  }
0x55: {  	_ =	shalt  }
0x56: {  	_ =	shalt  }
0x57: {  	_ =	shalt  }
0x58: {  	_ =	shalt  }
0x59: {  	_ =	shalt  }
0x5a: {  	_ =	shalt  }
0x5b: {  	_ =	shalt  }
0x5c: {  	_ =	shalt  }
0x5d: {  	_ =	shalt  }
0x5e: {  	_ =	shalt  }
0x5f: {  	_ =	shalt  }
0x60: {  	_ =	shalt  }
0x61: {  	_ =	shalt  }
0x62: {  	_ =	shalt  }
0x63: {  	_ =	shalt  }
0x64: {  	_ =	shalt  }
0x65: {  	_ =	shalt  }
0x66: {  	_ =	shalt  }
0x67: {  	_ =	shalt  }
0x68: {  	_ =	shalt  }
0x69: {  	_ =	shalt  }
0x6a: {  	_ =	shalt  }
0x6b: {  	_ =	shalt  }
0x6c: {  	_ =	shalt  }
0x6d: {  	_ =	shalt  }
0x6e: {  	_ =	shalt  }
0x6f: {  	_ =	shalt  }
0x70: {  	_ =	shalt  }
0x71: {  	_ =	shalt  }
0x72: {  	_ =	shalt  }
0x73: {  	_ =	shalt  }
0x74: {  	_ =	shalt  }
0x75: {  	_ =	shalt  }
0x76: {  	_ =	shalt  }
0x77: {  	_ =	shalt  }
0x78: {  	_ =	shalt  }
0x79: {  	_ =	shalt  }
0x7a: {  	_ =	shalt  }
0x7b: {  	_ =	shalt  }
0x7c: {  	_ =	shalt  }
0x7d: {  	_ =	shalt  }
0x7e: {  	_ =	shalt  }
0x7f: {  	_ =	shalt  }
0x80: {  	_ =	shalt  }
0x81: {  	_ =	shalt  }
0x82: {  	_ =	shalt  }
0x83: {  	_ =	shalt  }
0x84: {  	_ =	shalt  }
0x85: {  	_ =	shalt  }
0x86: {  	_ =	shalt  }
0x87: {  	_ =	shalt  }
.Lfunc_end0:
.L_simem_size_0:
called_computation.1_lowered:
.L_overlay_start_0:
0x88: {  	s2 =	sld [smem:$0x3FD9]  }
0x89: {  	s3 =	sld [smem:$0x3FFE];
	_ =	sdelay $0x1  }
0x8a: {  	s1 =	srdreg.scid  }
0x8b: {  	s0 =	sand.u32 $0x1, s1  }
0x8c: {  	s17 =	sshll.u32 s0, $0xA;
	s2 =	sadd.s32 s3, s2  }
0x8d: {  	s2 =	sadd.s32 s2, s17  }
0x8e: {  	[smem:$0x3FC1] =	sst s2  }
0x8f: {  	_ = 	snop  }
0x90: {  	s2 =	sld [smem:$0x3FC9]  }
0x91: {  	s18 =	sld [smem:$0x3FD0];
	(tm) =	ssettm $0x1  }
0x92: {  	s4 =	sld [smem:$0x3FFB];
	_ =	sdelay $0x3  }
0x93: {  	_ =	strace s4  }
0x94: {  	s4 =	sld [smem:$0x3FFC];
	_ =	sdelay $0x3  }
0x95: {  	_ =	strace s4  }
0x96: {  	s4 =	sld [smem:$0x3FFD];
	_ =	sdelay $0x3  }
0x97: {  	_ =	strace s4  }
0x98: {  	_ =	strace $0x8FFFFFFF  }
0x99: {  	s19 =	sld [smem:$0x3FDB];
	_ =	sdelay $0x1  }
0x9a: {  	s5 =	simm.s32 $_scs_section_size  }
0x9b: {  	s6 =	simm.s32 $_size__tile_overlayer_lowered;
	s7 =	simm.s32 $_tile_overlayer_lowered  }
0x9c: {  	s22 =	simm.s32 $0x1BFF;
	s21 =	sshll.u32 s7, $0x1;
	s4 =	sadd.s32 s5, s19  }
0x9d: {  	s8 =	simm.s32 $0x0;
	s20 =	sshll.u32 s6, $0x1;
	s6 =	sadd.s32 s21, s4  }
0x9e: {  	[timem:s8], [sflag:s22] =	dma.local [hbm:s6], s20  }
0x9f: {  	_ =	swait.ge [sflag:s22], s20  }
0xa0: {  	s5 =	ssub.s32 $0x0, s20;
	[sflag:s22] =	ssyncset.done $0x0  }
0xa1: {  	[sflag:s22] =	ssyncadd.s32 s5;
	_ =	sdelay $0x1  }
0xa2: {  	s23 =	simm.s32 $0x1B8B  }
0xa3: {  	_ =	swait.ge [sflag:s23], $0x1  }
0xa4: {  	[sflag:s23] =	ssyncset.done $0x0  }
0xa5: {  	s25 =	simm.s32 $0x1B8E;
	s24 =	sld [smem:$0x3FFE];
	[sflag:s23] =	ssyncadd.s32 $0xFFFFFFFF  }
0xa6: {  	s26 =	simm.s32 $execute0_lowered;
	[smem:$0x3FD2] =	sst s25  }
0xa7: {  	s6 =	sshll.u32 s26, $0x1;
	_ =	strace $0x80000049;
	[dreg:$0x1] =	wrdreg $0xFFFFFFFF  }
0xa8: {  	s28 =	simm.s32 $_size_execute0_lowered;
	s4 =	sadd.s32 s4, s6;
	[dreg:$0x0] =	wrdreg $0x0  }
0xa9: {  	s6 =	sshll.u32 s28, $0x1;
	[dreg:$0x2] =	wrdreg s4  }
0xaa: {  	[dreg:$0x3] =	wrdreg s6  }
0xab: {  	[dreg:$0x4] =	wrdreg $0xC0  }
0xac: {  	_ =	task [dreg:s8], $0x5FFFF  }
0xad: {  	[dreg:$0x1] =	wrdreg $0xFFFFFFFF  }
0xae: {  	[dreg:$0x0] =	wrdreg $0x60  }
0xaf: {  	[dreg:$0x2] =	wrdreg s2  }
0xb0: {  	[dreg:$0x3] =	wrdreg s18  }
0xb1: {  	[dreg:$0x4] =	wrdreg s24  }
0xb2: {  	[dreg:$0x5] =	wrdreg $0x9  }
0xb3: {  	_ =	task.clear_ibuf [dreg:s8], $0x6FFFF;
	_ =	strace $0x90000049  }
0xb4: {  	s29 =	simm.s32 $0x9;
	_ =	strace $0x8000004B  }
0xb5: {  	_ =	swait.ge [sflag:s29], $0x1  }
0xb6: {  	[sflag:s29] =	ssyncadd.s32 $0xFFFFFFFF  }
0xb7: {  	_ =	strace $0x9000004B  }
0xb8: {  	_ =	sfence  }
0xb9: {  	s30 =	sld [smem:$0x0];
	_ =	sdelay $0x2  }
0xba: {  	s31 =	sshll.u32 s1, $0xD;
	s1 =	sshrl.u32 s1, $0x2  }
0xbb: {  	s3 =	sand.u32 $0x4000, s31;
	s1 =	sadd.s32 s1, s30  }
0xbc: {  	s0 =	sor.u32 s3, s0;
	s1 =	sshll.u32 s1, $0x11  }
0xbd: {  	s0 =	sor.u32 s1, s0  }
0xbe: {  	s0 =	sadd.s32 $0x8F2B, s0  }
0xbf: {  	[sflag:s0] =	ssyncadd.remote.s32 $0x1  }
0xc0: {  	_ =	sfence.sel $0xFFFF  }
0xc1: {  	[dreg:$0x0] =	wrdreg $0xFFFFFFFF;
	(pc) =	sbr.abs _section_cstart, $3  }
0xc2: {  	[dreg:$0x1] =	wrdreg $0xFFFFFFFF  }
0xc3: {  	_ =	task.clear_ibuf [dreg:s8], $0x2FFFF;
	_ =	strace $0x9FFFFFFF  }
0xc4: {  	(tm) =	ssettm $0x7FFFFFFF  }
0xc5: {  	_ =	shalt  }
tec
execute0_lowered:
.L_overlay_start_1:
0x0: {  	(tag) =	ssettag $0x1  }
0x1: {  	s1 =	rddreg [dreg:$0x0]  }
0x2: {  	s4 =	rddreg [dreg:$0x1]  }
0x3: {  	s2 =	srdreg.scid;
	s0 =	stileid.u32  }
0x4: {  	s5 =	rddreg [dreg:$0x2];
	s3 =	simm.s32 $0x0;
	s13 =	simm.s32 $0x2  }
0x5: {  	s14 =	simm.s32 $0x100;
	s15 =	simm.s32 $0x900;
	s16 =	simm.s32 $0x1100  }
0x6: {  	s17 =	simm.s32 $0x1900;
	s18 =	simm.s32 $0x2100;
	s19 =	simm.s32 $0x2900  }
0x7: {  	s20 =	simm.s32 $0x3100;
	s21 =	simm.s32 $0x3900;
	s22 =	simm.s32 $0x4100  }
0x8: {  	s23 =	simm.s32 $0x4900;
	s24 =	simm.s32 $0x5100;
	s25 =	simm.s32 $0x5900  }
0x9: {  	s28 =	simm.s32 $0x6900;
	s6 =	sand.u32 $0x1, s2;
	s7 =	sshll.u32 s0, $0x1  }
0xa: {  	s29 =	simm.s32 $0x7100;
	s30 =	simm.s32 $0x7900;
	s7 =	sor.u32 s6, s7  }
0xb: {  	s31 =	simm.s32 $0x1;
	[smem:$0x7FF] =	sst s3;
	s8 =	smul.u32 $0x14, s7  }
0xc: {  	s10 =	sadd.s32 $0x400, s5;
	s6 =	ssub.s32 $0x2, s6;
	s26 =	smul.u32 $0x28000, s7  }
0xd: {  	s5 =	sadd.s32 $0x200, s1;
	s9 =	sshrl.u32 s6, $0x1;
	s7 =	smul.u32 $0x5000, s7  }
0xe: {  	_ =	strace $0x8000004A;
	s12 =	ssub.s32 s6, s9;
	s6 =	sadd.s32 $0x300, s1  }
0xf: {  	s4 =	sadd.s32 s4, s8;
	s8 =	sshrl.u32 s26, $0x3;
	s7 =	sadd.s32 s10, s7  }
0x10: {  	v2 =	vlaneseq.u32;
	s12 =	smax.u32 s12, $0x1;
	s26 =	simm.s32 $0x6100;
	s11 =	sadd.s32 s10, s8  }
0x11: {  	vm0 =	vmmov $0xffff;
	v1 =	vshrl.u32 v2, $0x3;
	[dreg:$0x4] =	wrdreg s4;
	s4 =	sadd.s32 $0x100, s1;
	s8 =	sadd.s32 $0x1000, s11  }
0x12: {  	v0 =	vand.u32 $0x7, v2;
	v2 =	vor.u32 $0x8, v2;
	v1 =	vmul.u32 $0x8, v1;
	s9 =	sadd.s32 $0x2000, s11;
	s10 =	sadd.s32 $0x3000, s11;
	s11 =	sadd.s32 $0x4000, s11  }
.LBB2_1:
0x13: {  	s2 =	rddreg [dreg:$0x4]  }
0x14: {  	[tilespmem:s3], [sflag:$0x2] =	stream.linear.gather [hbm4b:s2+s3], $0xA0, $0x38;
	[tilespmem:$0x8100] =	vst v63  }
0x15: {  	_ =	swait.ge [sflag:s13], $0xA0  }
0x16: {  	[sflag:s13] =	ssyncset.done $0x0  }
0x17: {  	[sflag:s13] =	ssyncadd.s32 $0xFFFFFF60  }
0x18: {  	v3 =	vld [tilespmem:$0x0];
	_ =	sdelay $0x4  }
0x19: {  	v4 =	vshll.u32 v3, $0x3  }
0x1a: {  	v3 =	vand.u32 $0x7, v3;
	v4 =	vand.u32 $0xFFFFFFC0, v4  }
0x1b: {  	v3 =	vor.u32 v3, v4  }
0x1c: {  	v4 =	vperm.xlane v3, v0;
	_ =	sdelay $0x1  }
0x1d: {  	v4 =	vadd.s32 v1, v4;
	_ =	sdelay $0x4  }
0x1e: {  	[tilespmem:s14], [sflag:$0x1] =	stream.indirect_vreg.gather [hbm4b:s1+s3], $0x80, v4, vm0, $0xb8;
	[tilespmem:$0x8100] =	vst v63  }
0x1f: {  	v3 =	vperm.xlane v3, v2  }
0x20: {  	[tilespmem:s15], [sflag:$0x1] =	stream.indirect_vreg.gather [hbm4b:s4+s3], $0x80, v4, vm0, $0xb8;
	[tilespmem:$0x8100] =	vst v63  }
0x21: {  	v3 =	vadd.s32 v1, v3  }
0x22: {  	[tilespmem:s16], [sflag:$0x1] =	stream.indirect_vreg.gather [hbm4b:s5+s3], $0x80, v4, vm0, $0xb8;
	[tilespmem:$0x8100] =	vst v63  }
0x23: {  	_ = 	snop  }
0x24: {  	[tilespmem:s17], [sflag:$0x1] =	stream.indirect_vreg.gather [hbm4b:s6+s3], $0x80, v4, vm0, $0xb8;
	[tilespmem:$0x8100] =	vst v63  }
0x25: {  	_ = 	snop  }
0x26: {  	[tilespmem:s18], [sflag:$0x1] =	stream.indirect_vreg.gather [hbm4b:s1+s3], $0x80, v3, vm0, $0xb8;
	[tilespmem:$0x8100] =	vst v63  }
0x27: {  	_ = 	snop  }
0x28: {  	[tilespmem:s19], [sflag:$0x1] =	stream.indirect_vreg.gather [hbm4b:s4+s3], $0x80, v3, vm0, $0xb8;
	[tilespmem:$0x8100] =	vst v63  }
0x29: {  	_ = 	snop  }
0x2a: {  	[tilespmem:s20], [sflag:$0x1] =	stream.indirect_vreg.gather [hbm4b:s5+s3], $0x80, v3, vm0, $0xb8;
	[tilespmem:$0x8100] =	vst v63  }
0x2b: {  	_ = 	snop  }
0x2c: {  	[tilespmem:s21], [sflag:$0x1] =	stream.indirect_vreg.gather [hbm4b:s6+s3], $0x80, v3, vm0, $0xb8;
	[tilespmem:$0x8100] =	vst v63  }
0x2d: {  	v3 =	vld [tilespmem:$0x10];
	_ =	sdelay $0x4  }
0x2e: {  	v55 =	vshll.u32 v3, $0x3  }
0x2f: {  	v3 =	vand.u32 $0x7, v3;
	v4 =	vand.u32 $0xFFFFFFC0, v55  }
0x30: {  	v3 =	vor.u32 v3, v4  }
0x31: {  	v4 =	vperm.xlane v3, v0;
	_ =	sdelay $0x1  }
0x32: {  	v4 =	vadd.s32 v1, v4;
	_ =	sdelay $0x4  }
0x33: {  	[tilespmem:s22], [sflag:$0x1] =	stream.indirect_vreg.gather [hbm4b:s1+s3], $0x80, v4, vm0, $0xb8;
	[tilespmem:$0x8100] =	vst v63  }
0x34: {  	v3 =	vperm.xlane v3, v2  }
0x35: {  	[tilespmem:s23], [sflag:$0x1] =	stream.indirect_vreg.gather [hbm4b:s4+s3], $0x80, v4, vm0, $0xb8;
	[tilespmem:$0x8100] =	vst v63  }
0x36: {  	v3 =	vadd.s32 v1, v3  }
0x37: {  	[tilespmem:s24], [sflag:$0x1] =	stream.indirect_vreg.gather [hbm4b:s5+s3], $0x80, v4, vm0, $0xb8;
	[tilespmem:$0x8100] =	vst v63  }
0x38: {  	_ = 	snop  }
0x39: {  	[tilespmem:s25], [sflag:$0x1] =	stream.indirect_vreg.gather [hbm4b:s6+s3], $0x80, v4, vm0, $0xb8;
	[tilespmem:$0x8100] =	vst v63  }
0x3a: {  	_ = 	snop  }
0x3b: {  	[tilespmem:s26], [sflag:$0x1] =	stream.indirect_vreg.gather [hbm4b:s1+s3], $0x80, v3, vm0, $0xb8;
	[tilespmem:$0x8100] =	vst v63  }
0x3c: {  	_ = 	snop  }
0x3d: {  	[tilespmem:s28], [sflag:$0x1] =	stream.indirect_vreg.gather [hbm4b:s4+s3], $0x80, v3, vm0, $0xb8;
	[tilespmem:$0x8100] =	vst v63  }
0x3e: {  	_ = 	snop  }
0x3f: {  	[tilespmem:s29], [sflag:$0x1] =	stream.indirect_vreg.gather [hbm4b:s5+s3], $0x80, v3, vm0, $0xb8;
	[tilespmem:$0x8100] =	vst v63  }
0x40: {  	_ = 	snop  }
0x41: {  	[tilespmem:s30], [sflag:$0x1] =	stream.indirect_vreg.gather [hbm4b:s6+s3], $0x80, v3, vm0, $0xb8;
	[tilespmem:$0x8100] =	vst v63  }
0x42: {  	_ =	swait.ge [sflag:s31], $0x8000  }
0x43: {  	[sflag:s31] =	ssyncset.done $0x0  }
0x44: {  	[sflag:s31] =	ssyncadd.s32 $0xFFFF8000  }
0x45: {  	[hbm4b:s7+s3] =	stream.linear.scatter [tilespmem:s14], [sflag:$0x2], $0x8000, $0x38;
	[tilespmem:$0x8100] =	vst v63  }
0x46: {  	_ =	swait.ge [sflag:s13], $0x8000  }
0x47: {  	[sflag:s13] =	ssyncset.done $0x0  }
0x48: {  	[sflag:s13] =	ssyncadd.s32 $0xFFFF8000  }
0x49: {  	v3 =	vld [tilespmem:$0x20];
	_ =	sdelay $0x4  }
0x4a: {  	v56 =	vshll.u32 v3, $0x3  }
0x4b: {  	v3 =	vand.u32 $0x7, v3;
	v4 =	vand.u32 $0xFFFFFFC0, v56  }
0x4c: {  	v3 =	vor.u32 v3, v4  }
0x4d: {  	v4 =	vperm.xlane v3, v0;
	_ =	sdelay $0x1  }
0x4e: {  	v4 =	vadd.s32 v1, v4;
	_ =	sdelay $0x4  }
0x4f: {  	[tilespmem:s14], [sflag:$0x1] =	stream.indirect_vreg.gather [hbm4b:s1+s3], $0x80, v4, vm0, $0xb8;
	[tilespmem:$0x8100] =	vst v63  }
0x50: {  	v3 =	vperm.xlane v3, v2  }
0x51: {  	[tilespmem:s15], [sflag:$0x1] =	stream.indirect_vreg.gather [hbm4b:s4+s3], $0x80, v4, vm0, $0xb8;
	[tilespmem:$0x8100] =	vst v63  }
0x52: {  	v3 =	vadd.s32 v1, v3  }
0x53: {  	[tilespmem:s16], [sflag:$0x1] =	stream.indirect_vreg.gather [hbm4b:s5+s3], $0x80, v4, vm0, $0xb8;
	[tilespmem:$0x8100] =	vst v63  }
0x54: {  	_ = 	snop  }
0x55: {  	[tilespmem:s17], [sflag:$0x1] =	stream.indirect_vreg.gather [hbm4b:s6+s3], $0x80, v4, vm0, $0xb8;
	[tilespmem:$0x8100] =	vst v63  }
0x56: {  	_ = 	snop  }
0x57: {  	[tilespmem:s18], [sflag:$0x1] =	stream.indirect_vreg.gather [hbm4b:s1+s3], $0x80, v3, vm0, $0xb8;
	[tilespmem:$0x8100] =	vst v63  }
0x58: {  	_ = 	snop  }
0x59: {  	[tilespmem:s19], [sflag:$0x1] =	stream.indirect_vreg.gather [hbm4b:s4+s3], $0x80, v3, vm0, $0xb8;
	[tilespmem:$0x8100] =	vst v63  }
0x5a: {  	_ = 	snop  }
0x5b: {  	[tilespmem:s20], [sflag:$0x1] =	stream.indirect_vreg.gather [hbm4b:s5+s3], $0x80, v3, vm0, $0xb8;
	[tilespmem:$0x8100] =	vst v63  }
0x5c: {  	_ = 	snop  }
0x5d: {  	[tilespmem:s21], [sflag:$0x1] =	stream.indirect_vreg.gather [hbm4b:s6+s3], $0x80, v3, vm0, $0xb8;
	[tilespmem:$0x8100] =	vst v63  }
0x5e: {  	v3 =	vld [tilespmem:$0x30];
	_ =	sdelay $0x4  }
0x5f: {  	v57 =	vshll.u32 v3, $0x3  }
0x60: {  	v3 =	vand.u32 $0x7, v3;
	v4 =	vand.u32 $0xFFFFFFC0, v57  }
0x61: {  	v3 =	vor.u32 v3, v4  }
0x62: {  	v4 =	vperm.xlane v3, v0;
	_ =	sdelay $0x1  }
0x63: {  	v4 =	vadd.s32 v1, v4;
	_ =	sdelay $0x4  }
0x64: {  	[tilespmem:s22], [sflag:$0x1] =	stream.indirect_vreg.gather [hbm4b:s1+s3], $0x80, v4, vm0, $0xb8;
	[tilespmem:$0x8100] =	vst v63  }
0x65: {  	v3 =	vperm.xlane v3, v2  }
0x66: {  	[tilespmem:s23], [sflag:$0x1] =	stream.indirect_vreg.gather [hbm4b:s4+s3], $0x80, v4, vm0, $0xb8;
	[tilespmem:$0x8100] =	vst v63  }
0x67: {  	v3 =	vadd.s32 v1, v3  }
0x68: {  	[tilespmem:s24], [sflag:$0x1] =	stream.indirect_vreg.gather [hbm4b:s5+s3], $0x80, v4, vm0, $0xb8;
	[tilespmem:$0x8100] =	vst v63  }
0x69: {  	_ = 	snop  }
0x6a: {  	[tilespmem:s25], [sflag:$0x1] =	stream.indirect_vreg.gather [hbm4b:s6+s3], $0x80, v4, vm0, $0xb8;
	[tilespmem:$0x8100] =	vst v63  }
0x6b: {  	_ = 	snop  }
0x6c: {  	[tilespmem:s26], [sflag:$0x1] =	stream.indirect_vreg.gather [hbm4b:s1+s3], $0x80, v3, vm0, $0xb8;
	[tilespmem:$0x8100] =	vst v63  }
0x6d: {  	_ = 	snop  }
0x6e: {  	[tilespmem:s28], [sflag:$0x1] =	stream.indirect_vreg.gather [hbm4b:s4+s3], $0x80, v3, vm0, $0xb8;
	[tilespmem:$0x8100] =	vst v63  }
0x6f: {  	_ = 	snop  }
0x70: {  	[tilespmem:s29], [sflag:$0x1] =	stream.indirect_vreg.gather [hbm4b:s5+s3], $0x80, v3, vm0, $0xb8;
	[tilespmem:$0x8100] =	vst v63  }
0x71: {  	_ = 	snop  }
0x72: {  	[tilespmem:s30], [sflag:$0x1] =	stream.indirect_vreg.gather [hbm4b:s6+s3], $0x80, v3, vm0, $0xb8;
	[tilespmem:$0x8100] =	vst v63  }
0x73: {  	_ =	swait.ge [sflag:s31], $0x8000  }
0x74: {  	[sflag:s31] =	ssyncset.done $0x0  }
0x75: {  	[sflag:s31] =	ssyncadd.s32 $0xFFFF8000  }
0x76: {  	[hbm4b:s8+s3] =	stream.linear.scatter [tilespmem:s14], [sflag:$0x2], $0x8000, $0x38;
	[tilespmem:$0x8100] =	vst v63  }
0x77: {  	_ =	swait.ge [sflag:s13], $0x8000  }
0x78: {  	[sflag:s13] =	ssyncset.done $0x0  }
0x79: {  	[sflag:s13] =	ssyncadd.s32 $0xFFFF8000  }
0x7a: {  	v3 =	vld [tilespmem:$0x40];
	_ =	sdelay $0x4  }
0x7b: {  	v58 =	vshll.u32 v3, $0x3  }
0x7c: {  	v3 =	vand.u32 $0x7, v3;
	v4 =	vand.u32 $0xFFFFFFC0, v58  }
0x7d: {  	v3 =	vor.u32 v3, v4  }
0x7e: {  	v4 =	vperm.xlane v3, v0;
	_ =	sdelay $0x1  }
0x7f: {  	v4 =	vadd.s32 v1, v4;
	_ =	sdelay $0x4  }
0x80: {  	[tilespmem:s14], [sflag:$0x1] =	stream.indirect_vreg.gather [hbm4b:s1+s3], $0x80, v4, vm0, $0xb8;
	[tilespmem:$0x8100] =	vst v63  }
0x81: {  	v3 =	vperm.xlane v3, v2  }
0x82: {  	[tilespmem:s15], [sflag:$0x1] =	stream.indirect_vreg.gather [hbm4b:s4+s3], $0x80, v4, vm0, $0xb8;
	[tilespmem:$0x8100] =	vst v63  }
0x83: {  	v3 =	vadd.s32 v1, v3  }
0x84: {  	[tilespmem:s16], [sflag:$0x1] =	stream.indirect_vreg.gather [hbm4b:s5+s3], $0x80, v4, vm0, $0xb8;
	[tilespmem:$0x8100] =	vst v63  }
0x85: {  	_ = 	snop  }
0x86: {  	[tilespmem:s17], [sflag:$0x1] =	stream.indirect_vreg.gather [hbm4b:s6+s3], $0x80, v4, vm0, $0xb8;
	[tilespmem:$0x8100] =	vst v63  }
0x87: {  	_ = 	snop  }
0x88: {  	[tilespmem:s18], [sflag:$0x1] =	stream.indirect_vreg.gather [hbm4b:s1+s3], $0x80, v3, vm0, $0xb8;
	[tilespmem:$0x8100] =	vst v63  }
0x89: {  	_ = 	snop  }
0x8a: {  	[tilespmem:s19], [sflag:$0x1] =	stream.indirect_vreg.gather [hbm4b:s4+s3], $0x80, v3, vm0, $0xb8;
	[tilespmem:$0x8100] =	vst v63  }
0x8b: {  	_ = 	snop  }
0x8c: {  	[tilespmem:s20], [sflag:$0x1] =	stream.indirect_vreg.gather [hbm4b:s5+s3], $0x80, v3, vm0, $0xb8;
	[tilespmem:$0x8100] =	vst v63  }
0x8d: {  	_ = 	snop  }
0x8e: {  	[tilespmem:s21], [sflag:$0x1] =	stream.indirect_vreg.gather [hbm4b:s6+s3], $0x80, v3, vm0, $0xb8;
	[tilespmem:$0x8100] =	vst v63  }
0x8f: {  	v3 =	vld [tilespmem:$0x50];
	_ =	sdelay $0x4  }
0x90: {  	v59 =	vshll.u32 v3, $0x3  }
0x91: {  	v3 =	vand.u32 $0x7, v3;
	v4 =	vand.u32 $0xFFFFFFC0, v59  }
0x92: {  	v3 =	vor.u32 v3, v4  }
0x93: {  	v4 =	vperm.xlane v3, v0;
	_ =	sdelay $0x1  }
0x94: {  	v4 =	vadd.s32 v1, v4;
	_ =	sdelay $0x4  }
0x95: {  	[tilespmem:s22], [sflag:$0x1] =	stream.indirect_vreg.gather [hbm4b:s1+s3], $0x80, v4, vm0, $0xb8;
	[tilespmem:$0x8100] =	vst v63  }
0x96: {  	v3 =	vperm.xlane v3, v2  }
0x97: {  	[tilespmem:s23], [sflag:$0x1] =	stream.indirect_vreg.gather [hbm4b:s4+s3], $0x80, v4, vm0, $0xb8;
	[tilespmem:$0x8100] =	vst v63  }
0x98: {  	v3 =	vadd.s32 v1, v3  }
0x99: {  	[tilespmem:s24], [sflag:$0x1] =	stream.indirect_vreg.gather [hbm4b:s5+s3], $0x80, v4, vm0, $0xb8;
	[tilespmem:$0x8100] =	vst v63  }
0x9a: {  	_ = 	snop  }
0x9b: {  	[tilespmem:s25], [sflag:$0x1] =	stream.indirect_vreg.gather [hbm4b:s6+s3], $0x80, v4, vm0, $0xb8;
	[tilespmem:$0x8100] =	vst v63  }
0x9c: {  	_ = 	snop  }
0x9d: {  	[tilespmem:s26], [sflag:$0x1] =	stream.indirect_vreg.gather [hbm4b:s1+s3], $0x80, v3, vm0, $0xb8;
	[tilespmem:$0x8100] =	vst v63  }
0x9e: {  	_ = 	snop  }
0x9f: {  	[tilespmem:s28], [sflag:$0x1] =	stream.indirect_vreg.gather [hbm4b:s4+s3], $0x80, v3, vm0, $0xb8;
	[tilespmem:$0x8100] =	vst v63  }
0xa0: {  	_ = 	snop  }
0xa1: {  	[tilespmem:s29], [sflag:$0x1] =	stream.indirect_vreg.gather [hbm4b:s5+s3], $0x80, v3, vm0, $0xb8;
	[tilespmem:$0x8100] =	vst v63  }
0xa2: {  	_ = 	snop  }
0xa3: {  	[tilespmem:s30], [sflag:$0x1] =	stream.indirect_vreg.gather [hbm4b:s6+s3], $0x80, v3, vm0, $0xb8;
	[tilespmem:$0x8100] =	vst v63  }
0xa4: {  	_ =	swait.ge [sflag:s31], $0x8000  }
0xa5: {  	[sflag:s31] =	ssyncset.done $0x0  }
0xa6: {  	[sflag:s31] =	ssyncadd.s32 $0xFFFF8000  }
0xa7: {  	[hbm4b:s9+s3] =	stream.linear.scatter [tilespmem:s14], [sflag:$0x2], $0x8000, $0x38;
	[tilespmem:$0x8100] =	vst v63  }
0xa8: {  	_ =	swait.ge [sflag:s13], $0x8000  }
0xa9: {  	[sflag:s13] =	ssyncset.done $0x0  }
0xaa: {  	[sflag:s13] =	ssyncadd.s32 $0xFFFF8000  }
0xab: {  	v3 =	vld [tilespmem:$0x60];
	_ =	sdelay $0x4  }
0xac: {  	v60 =	vshll.u32 v3, $0x3  }
0xad: {  	v3 =	vand.u32 $0x7, v3;
	v4 =	vand.u32 $0xFFFFFFC0, v60  }
0xae: {  	v3 =	vor.u32 v3, v4  }
0xaf: {  	v4 =	vperm.xlane v3, v0;
	_ =	sdelay $0x1  }
0xb0: {  	v4 =	vadd.s32 v1, v4;
	_ =	sdelay $0x4  }
0xb1: {  	[tilespmem:s14], [sflag:$0x1] =	stream.indirect_vreg.gather [hbm4b:s1+s3], $0x80, v4, vm0, $0xb8;
	[tilespmem:$0x8100] =	vst v63  }
0xb2: {  	v3 =	vperm.xlane v3, v2  }
0xb3: {  	[tilespmem:s15], [sflag:$0x1] =	stream.indirect_vreg.gather [hbm4b:s4+s3], $0x80, v4, vm0, $0xb8;
	[tilespmem:$0x8100] =	vst v63  }
0xb4: {  	v3 =	vadd.s32 v1, v3  }
0xb5: {  	[tilespmem:s16], [sflag:$0x1] =	stream.indirect_vreg.gather [hbm4b:s5+s3], $0x80, v4, vm0, $0xb8;
	[tilespmem:$0x8100] =	vst v63  }
0xb6: {  	_ = 	snop  }
0xb7: {  	[tilespmem:s17], [sflag:$0x1] =	stream.indirect_vreg.gather [hbm4b:s6+s3], $0x80, v4, vm0, $0xb8;
	[tilespmem:$0x8100] =	vst v63  }
0xb8: {  	_ = 	snop  }
0xb9: {  	[tilespmem:s18], [sflag:$0x1] =	stream.indirect_vreg.gather [hbm4b:s1+s3], $0x80, v3, vm0, $0xb8;
	[tilespmem:$0x8100] =	vst v63  }
0xba: {  	_ = 	snop  }
0xbb: {  	[tilespmem:s19], [sflag:$0x1] =	stream.indirect_vreg.gather [hbm4b:s4+s3], $0x80, v3, vm0, $0xb8;
	[tilespmem:$0x8100] =	vst v63  }
0xbc: {  	_ = 	snop  }
0xbd: {  	[tilespmem:s20], [sflag:$0x1] =	stream.indirect_vreg.gather [hbm4b:s5+s3], $0x80, v3, vm0, $0xb8;
	[tilespmem:$0x8100] =	vst v63  }
0xbe: {  	_ = 	snop  }
0xbf: {  	[tilespmem:s21], [sflag:$0x1] =	stream.indirect_vreg.gather [hbm4b:s6+s3], $0x80, v3, vm0, $0xb8;
	[tilespmem:$0x8100] =	vst v63  }
0xc0: {  	v3 =	vld [tilespmem:$0x70];
	_ =	sdelay $0x4  }
0xc1: {  	v61 =	vshll.u32 v3, $0x3  }
0xc2: {  	v3 =	vand.u32 $0x7, v3;
	v4 =	vand.u32 $0xFFFFFFC0, v61  }
0xc3: {  	v3 =	vor.u32 v3, v4  }
0xc4: {  	v4 =	vperm.xlane v3, v0;
	_ =	sdelay $0x1  }
0xc5: {  	v4 =	vadd.s32 v1, v4;
	_ =	sdelay $0x4  }
0xc6: {  	[tilespmem:s22], [sflag:$0x1] =	stream.indirect_vreg.gather [hbm4b:s1+s3], $0x80, v4, vm0, $0xb8;
	[tilespmem:$0x8100] =	vst v63  }
0xc7: {  	v3 =	vperm.xlane v3, v2  }
0xc8: {  	[tilespmem:s23], [sflag:$0x1] =	stream.indirect_vreg.gather [hbm4b:s4+s3], $0x80, v4, vm0, $0xb8;
	[tilespmem:$0x8100] =	vst v63  }
0xc9: {  	v3 =	vadd.s32 v1, v3  }
0xca: {  	[tilespmem:s24], [sflag:$0x1] =	stream.indirect_vreg.gather [hbm4b:s5+s3], $0x80, v4, vm0, $0xb8;
	[tilespmem:$0x8100] =	vst v63  }
0xcb: {  	_ = 	snop  }
0xcc: {  	[tilespmem:s25], [sflag:$0x1] =	stream.indirect_vreg.gather [hbm4b:s6+s3], $0x80, v4, vm0, $0xb8;
	[tilespmem:$0x8100] =	vst v63  }
0xcd: {  	_ = 	snop  }
0xce: {  	[tilespmem:s26], [sflag:$0x1] =	stream.indirect_vreg.gather [hbm4b:s1+s3], $0x80, v3, vm0, $0xb8;
	[tilespmem:$0x8100] =	vst v63  }
0xcf: {  	_ = 	snop  }
0xd0: {  	[tilespmem:s28], [sflag:$0x1] =	stream.indirect_vreg.gather [hbm4b:s4+s3], $0x80, v3, vm0, $0xb8;
	[tilespmem:$0x8100] =	vst v63  }
0xd1: {  	_ = 	snop  }
0xd2: {  	[tilespmem:s29], [sflag:$0x1] =	stream.indirect_vreg.gather [hbm4b:s5+s3], $0x80, v3, vm0, $0xb8;
	[tilespmem:$0x8100] =	vst v63  }
0xd3: {  	_ = 	snop  }
0xd4: {  	[tilespmem:s30], [sflag:$0x1] =	stream.indirect_vreg.gather [hbm4b:s6+s3], $0x80, v3, vm0, $0xb8;
	[tilespmem:$0x8100] =	vst v63  }
0xd5: {  	_ =	swait.ge [sflag:s31], $0x8000  }
0xd6: {  	[sflag:s31] =	ssyncset.done $0x0  }
0xd7: {  	[sflag:s31] =	ssyncadd.s32 $0xFFFF8000  }
0xd8: {  	[hbm4b:s10+s3] =	stream.linear.scatter [tilespmem:s14], [sflag:$0x2], $0x8000, $0x38;
	[tilespmem:$0x8100] =	vst v63  }
0xd9: {  	_ =	swait.ge [sflag:s13], $0x8000  }
0xda: {  	[sflag:s13] =	ssyncset.done $0x0  }
0xdb: {  	[sflag:s13] =	ssyncadd.s32 $0xFFFF8000  }
0xdc: {  	v3 =	vld [tilespmem:$0x80];
	_ =	sdelay $0x4  }
0xdd: {  	v62 =	vshll.u32 v3, $0x3  }
0xde: {  	v3 =	vand.u32 $0x7, v3;
	v4 =	vand.u32 $0xFFFFFFC0, v62  }
0xdf: {  	v3 =	vor.u32 v3, v4  }
0xe0: {  	v4 =	vperm.xlane v3, v0;
	_ =	sdelay $0x1  }
0xe1: {  	v4 =	vadd.s32 v1, v4;
	_ =	sdelay $0x4  }
0xe2: {  	[tilespmem:s14], [sflag:$0x1] =	stream.indirect_vreg.gather [hbm4b:s1+s3], $0x80, v4, vm0, $0xb8;
	[tilespmem:$0x8100] =	vst v63  }
0xe3: {  	v3 =	vperm.xlane v3, v2  }
0xe4: {  	[tilespmem:s15], [sflag:$0x1] =	stream.indirect_vreg.gather [hbm4b:s4+s3], $0x80, v4, vm0, $0xb8;
	[tilespmem:$0x8100] =	vst v63  }
0xe5: {  	v3 =	vadd.s32 v1, v3  }
0xe6: {  	[tilespmem:s16], [sflag:$0x1] =	stream.indirect_vreg.gather [hbm4b:s5+s3], $0x80, v4, vm0, $0xb8;
	[tilespmem:$0x8100] =	vst v63  }
0xe7: {  	_ = 	snop  }
0xe8: {  	[tilespmem:s17], [sflag:$0x1] =	stream.indirect_vreg.gather [hbm4b:s6+s3], $0x80, v4, vm0, $0xb8;
	[tilespmem:$0x8100] =	vst v63  }
0xe9: {  	_ = 	snop  }
0xea: {  	[tilespmem:s18], [sflag:$0x1] =	stream.indirect_vreg.gather [hbm4b:s1+s3], $0x80, v3, vm0, $0xb8;
	[tilespmem:$0x8100] =	vst v63  }
0xeb: {  	_ = 	snop  }
0xec: {  	[tilespmem:s19], [sflag:$0x1] =	stream.indirect_vreg.gather [hbm4b:s4+s3], $0x80, v3, vm0, $0xb8;
	[tilespmem:$0x8100] =	vst v63  }
0xed: {  	_ = 	snop  }
0xee: {  	[tilespmem:s20], [sflag:$0x1] =	stream.indirect_vreg.gather [hbm4b:s5+s3], $0x80, v3, vm0, $0xb8;
	[tilespmem:$0x8100] =	vst v63  }
0xef: {  	_ = 	snop  }
0xf0: {  	[tilespmem:s21], [sflag:$0x1] =	stream.indirect_vreg.gather [hbm4b:s6+s3], $0x80, v3, vm0, $0xb8;
	[tilespmem:$0x8100] =	vst v63  }
0xf1: {  	v3 =	vld [tilespmem:$0x90];
	_ =	sdelay $0x4  }
0xf2: {  	v63 =	vshll.u32 v3, $0x3  }
0xf3: {  	v3 =	vand.u32 $0x7, v3;
	v4 =	vand.u32 $0xFFFFFFC0, v63  }
0xf4: {  	v3 =	vor.u32 v3, v4  }
0xf5: {  	v4 =	vperm.xlane v3, v0;
	_ =	sdelay $0x1  }
0xf6: {  	v4 =	vadd.s32 v1, v4;
	_ =	sdelay $0x4  }
0xf7: {  	[tilespmem:s22], [sflag:$0x1] =	stream.indirect_vreg.gather [hbm4b:s1+s3], $0x80, v4, vm0, $0xb8;
	[tilespmem:$0x8100] =	vst v63  }
0xf8: {  	v3 =	vperm.xlane v3, v2  }
0xf9: {  	[tilespmem:s23], [sflag:$0x1] =	stream.indirect_vreg.gather [hbm4b:s4+s3], $0x80, v4, vm0, $0xb8;
	[tilespmem:$0x8100] =	vst v63  }
0xfa: {  	v3 =	vadd.s32 v1, v3  }
0xfb: {  	[tilespmem:s24], [sflag:$0x1] =	stream.indirect_vreg.gather [hbm4b:s5+s3], $0x80, v4, vm0, $0xb8;
	[tilespmem:$0x8100] =	vst v63  }
0xfc: {  	_ = 	snop  }
0xfd: {  	[tilespmem:s25], [sflag:$0x1] =	stream.indirect_vreg.gather [hbm4b:s6+s3], $0x80, v4, vm0, $0xb8;
	[tilespmem:$0x8100] =	vst v63  }
0xfe: {  	_ = 	snop  }
0xff: {  	[tilespmem:s26], [sflag:$0x1] =	stream.indirect_vreg.gather [hbm4b:s1+s3], $0x80, v3, vm0, $0xb8;
	[tilespmem:$0x8100] =	vst v63  }
0x100: {  	_ = 	snop  }
0x101: {  	[tilespmem:s28], [sflag:$0x1] =	stream.indirect_vreg.gather [hbm4b:s4+s3], $0x80, v3, vm0, $0xb8;
	[tilespmem:$0x8100] =	vst v63  }
0x102: {  	_ = 	snop  }
0x103: {  	[tilespmem:s29], [sflag:$0x1] =	stream.indirect_vreg.gather [hbm4b:s5+s3], $0x80, v3, vm0, $0xb8;
	[tilespmem:$0x8100] =	vst v63  }
0x104: {  	_ = 	snop  }
0x105: {  	[tilespmem:s30], [sflag:$0x1] =	stream.indirect_vreg.gather [hbm4b:s6+s3], $0x80, v3, vm0, $0xb8;
	[tilespmem:$0x8100] =	vst v63  }
0x106: {  	_ =	swait.ge [sflag:s31], $0x8000  }
0x107: {  	p0 =	sne.s32 s12, $0x1;
	[sflag:s31] =	ssyncset.done $0x0  }
.Ltmp0:
0x108: {  	[sflag:s31] =	ssyncadd.s32 $0xFFFF8000;
	(pc) =	sbr.rel @p0 .LBB2_1-.Ltmp0, $4  }
0x109: {  	[hbm4b:s11+s3] =	stream.linear.scatter [tilespmem:s14], [sflag:$0x2], $0x8000, $0x38;
	[tilespmem:$0x8100] =	vst v63  }
0x10a: {  	_ =	swait.ge [sflag:s13], $0x8000  }
0x10b: {  	[sflag:s13] =	ssyncset.done $0x0  }
0x10c: {  	s12 =	sadd.s32 $0xFFFFFFFF, s12;
	[sflag:s13] =	ssyncadd.s32 $0xFFFF8000  }
0x10d: {  	_ =	sfence.sel $0x180000  }
0x10e: {  	[bflag:$0x0] =	sbarrier.arrive $0xFFFF  }
0x10f: {  	_ =	strace $0x9000004A  }
0x110: {  	[bflag:$0x2] =	sbarrier.arrive $0xFFFF  }
0x111: {  	p0 =	sne.s32 s0, $0x0;
	s0 =	rddreg [dreg:$0x3]  }
0x112: {  	s0 =	sadd.s32 @!p0 $0x100000, s0  }
0x113: {  	[sflag:s0] =	ssyncadd.tile.s32 @!p0 $0x1;
	_ =	shalt  }
.Lfunc_end2:
_tile_overlayer_lowered:
.L_overlay_start_2:
0x114: {  	(tag) =	ssettag $0x2  }
0x115: {  	s0 =	rddreg [dreg:$0x0];
	s2 =	stileid.u32  }
0x116: {  	s1 =	rddreg [dreg:$0x1];
	p0 =	sne.s32 s2, $0x0  }
0x117: {  	s3 =	rddreg [dreg:$0x2];
	[bflag:$0x3] =	sbarrier.arrive $0xFFFF;
	s2 =	simm.s32 @!p0 $0x1C02  }
0x118: {  	[timem:s3], [sflag:s2] =	dma.local @!p0 [hbm:s0], s1  }
0x119: {  	s0 =	simm.s32 @!p0 $0x2  }
0x11a: {  	_ =	swait.ge @!p0 [sflag:s0], s1  }
0x11b: {  	s1 =	ssub.s32 @!p0 $0x0, s1;
	[sflag:s0] =	ssyncset.done @!p0 $0x0  }
0x11c: {  	[sflag:s0] =	ssyncadd.s32 @!p0 s1  }
0x11d: {  	[bflag:$0x3] =	sbarrier.arrive $0xFFFF  }
0x11e: {  	_ =	shalt  }

// kernel: kernel.9.cloned.1.call-start
scs
__scs_entry_jumppad:
0x0: {  	(pc) =	sbr.rel $0x88, $3  }
0x1: {  	(tag) =	ssettag $0x0;
	lr =	simm.s32 $0x1  }
0x2: {  	[smem:$0x3F9A] =	sst lr;
	_ =	strace $0xD0000000  }
0x3: {  	_ = 	snop  }
0x4: {  	_ = 	snop  }
0x5: {  	_ = 	snop  }
0x6: {  	_ = 	snop  }
0x7: {  	_ = 	snop  }
__scs_overlays_trampoline_lowered:
0x8: {  	[smem:$0x3FA9] =	sst s0  }
0x9: {  	[smem:$0x3FAA] =	sst s1  }
0xa: {  	[smem:$0x3FAB] =	sst s2  }
0xb: {  	[smem:$0x3FAC] =	sst s3  }
0xc: {  	[smem:$0x3FAD] =	sst s4  }
0xd: {  	[smem:$0x3FAE] =	sst s5  }
0xe: {  	[smem:$0x3FAF] =	sst s6  }
0xf: {  	[smem:$0x3FB0] =	sst s7  }
0x10: {  	[smem:$0x3FB1] =	sst s8  }
0x11: {  	[smem:$0x3FB2] =	sst s9;
	s0 =	simm.s32 @!p0 $0x0  }
0x12: {  	s1 =	sld [smem:$0x3F98];
	s0 =	simm.s32 @p0 $0x1  }
0x13: {  	[smem:$0x3FB3] =	sst s0;
	s0 =	simm.s32 @!p1 $0x0  }
0x14: {  	s2 =	sld [smem:$0x3F97];
	s0 =	simm.s32 @p1 $0x1  }
0x15: {  	[smem:$0x3FB4] =	sst s0;
	s0 =	simm.s32 @!p2 $0x0  }
0x16: {  	s3 =	sld [smem:$0x3FDB];
	s0 =	simm.s32 @p2 $0x1  }
0x17: {  	s4 =	simm.s32 $0x1BF5;
	[smem:$0x3FB6] =	sst s0  }
0x18: {  	s0 =	sld [smem:$0x3F99];
	_ =	swait.ge [sflag:s4], $0x0  }
0x19: {  	s7 =	sld [smem:$0x3F9A]  }
0x1a: {  	s8 =	sadd.s32 $0xFFFFE003, lr  }
0x1b: {  	s9 =	sadd.s32 $0xFFFFFEF7, lr;
	s5 =	simm.s32 $0xFFFFFFFF;
	p2 =	slt.u32 s8, $0xFFFFF086  }
0x1c: {  	p1 =	slt.u32 s9, $0xF7A;
	s5 =	simm.s32 @!p2 $0x0  }
0x1d: {  	s5 =	simm.s32 @p1 $0x1;
	p0 =	seq.s32 s7, s2  }
0x1e: {  	s7 =	smul.u32 @!p0 $0xF7A, s2;
	p2 =	seq.s32 @!p0 s5, $0x0  }
0x1f: {  	s9 =	smul.u32 $0xF7A, s1;
	s8 =	simm.s32 @!p0 $0x1BF5;
	p2 =	por !p2, p0  }
0x20: {  	[sflag:s8] =	ssyncset.s32 @!p0 $0xFFFFF086;
	s6 =	sadd.s32 @!p0 s3, s7;
	s7 =	simm.s32 @!p0 $0x108  }
0x21: {  	s3 =	sadd.s32 s3, s9;
	s6 =	sadd.s32 @!p0 $0x88, s6;
	s7 =	simm.s32 @p2 $0x1082  }
0x22: {  	[simem:s7], [sflag:s8] =	dma.local @!p0 [hbm:s6], $0xF7A  }
0x23: {  	s9 =	sor.u32 $0xD0000000, s2;
	s6 =	simm.s32 $0x108;
	_ =	swait.ge @!p0 [sflag:s8], $0x0  }
0x24: {  	s3 =	sadd.s32 $0x88, s3;
	s6 =	simm.s32 @!p1 $0x1082;
	[sflag:s4] =	ssyncset.s32 $0xFFFFF086  }
0x25: {  	[simem:s6], [sflag:s4] =	dma.local [hbm:s3], $0xF7A  }
0x26: {  	[smem:$0x3F9A] =	sst s1;
	(tag) =	ssettag s2;
	_ =	strace s9  }
0x27: {  	s1 =	sld [smem:$0x3FAA]  }
0x28: {  	s2 =	sld [smem:$0x3FAB]  }
0x29: {  	s4 =	sld [smem:$0x3FAD]  }
0x2a: {  	p0 =	seq.s32 s5, $0x0;
	s5 =	sld [smem:$0x3FAE]  }
0x2b: {  	s6 =	sld [smem:$0x3FAF]  }
0x2c: {  	s7 =	sld [smem:$0x3FB0]  }
0x2d: {  	s3 =	simm.s32 $0x108;
	s8 =	sld [smem:$0x3FB1]  }
0x2e: {  	s3 =	simm.s32 @!p0 $0x1082;
	s9 =	sld [smem:$0x3FB2]  }
0x2f: {  	lr =	sadd.s32 s0, s3;
	s0 =	sld [smem:$0x3FA9]  }
0x30: {  	s3 =	sld [smem:$0x3FAC]  }
0x31: {  	[smem:$0x3FB5] =	sst s10  }
0x32: {  	s10 =	sld [smem:$0x3FB3];
	_ =	sdelay $0x3  }
0x33: {  	p0 =	seq.s32 s10, $0x1;
	s10 =	sld [smem:$0x3FB5];
	_ =	sdelay $0x3  }
0x34: {  	[smem:$0x3FB5] =	sst s10  }
0x35: {  	s10 =	sld [smem:$0x3FB4];
	_ =	sdelay $0x3  }
0x36: {  	p1 =	seq.s32 s10, $0x1;
	s10 =	sld [smem:$0x3FB5];
	_ =	sdelay $0x3  }
0x37: {  	[smem:$0x3FB5] =	sst s10  }
0x38: {  	s10 =	sld [smem:$0x3FB6]  }
0x39: {  	_ = 	snop;
	(pc) =	sbr.ind lr, $3  }
0x3a: {  	_ = 	snop  }
0x3b: {  	_ = 	snop  }
0x3c: {  	p2 =	seq.s32 s10, $0x1;
	s10 =	sld [smem:$0x3FB5]  }
0x3d: {  	_ =	shalt  }
0x3e: {  	_ =	shalt  }
0x3f: {  	_ =	shalt  }
0x40: {  	_ =	shalt  }
0x41: {  	_ =	shalt  }
0x42: {  	_ =	shalt  }
0x43: {  	_ =	shalt  }
0x44: {  	_ =	shalt  }
0x45: {  	_ =	shalt  }
0x46: {  	_ =	shalt  }
0x47: {  	_ =	shalt  }
0x48: {  	_ =	shalt  }
0x49: {  	_ =	shalt  }
0x4a: {  	_ =	shalt  }
0x4b: {  	_ =	shalt  }
0x4c: {  	_ =	shalt  }
0x4d: {  	_ =	shalt  }
0x4e: {  	_ =	shalt  }
0x4f: {  	_ =	shalt  }
0x50: {  	_ =	shalt  }
0x51: {  	_ =	shalt  }
0x52: {  	_ =	shalt  }
0x53: {  	_ =	shalt  }
0x54: {  	_ =	shalt  }
0x55: {  	_ =	shalt  }
0x56: {  	_ =	shalt  }
0x57: {  	_ =	shalt  }
0x58: {  	_ =	shalt  }
0x59: {  	_ =	shalt  }
0x5a: {  	_ =	shalt  }
0x5b: {  	_ =	shalt  }
0x5c: {  	_ =	shalt  }
0x5d: {  	_ =	shalt  }
0x5e: {  	_ =	shalt  }
0x5f: {  	_ =	shalt  }
0x60: {  	_ =	shalt  }
0x61: {  	_ =	shalt  }
0x62: {  	_ =	shalt  }
0x63: {  	_ =	shalt  }
0x64: {  	_ =	shalt  }
0x65: {  	_ =	shalt  }
0x66: {  	_ =	shalt  }
0x67: {  	_ =	shalt  }
0x68: {  	_ =	shalt  }
0x69: {  	_ =	shalt  }
0x6a: {  	_ =	shalt  }
0x6b: {  	_ =	shalt  }
0x6c: {  	_ =	shalt  }
0x6d: {  	_ =	shalt  }
0x6e: {  	_ =	shalt  }
0x6f: {  	_ =	shalt  }
0x70: {  	_ =	shalt  }
0x71: {  	_ =	shalt  }
0x72: {  	_ =	shalt  }
0x73: {  	_ =	shalt  }
0x74: {  	_ =	shalt  }
0x75: {  	_ =	shalt  }
0x76: {  	_ =	shalt  }
0x77: {  	_ =	shalt  }
0x78: {  	_ =	shalt  }
0x79: {  	_ =	shalt  }
0x7a: {  	_ =	shalt  }
0x7b: {  	_ =	shalt  }
0x7c: {  	_ =	shalt  }
0x7d: {  	_ =	shalt  }
0x7e: {  	_ =	shalt  }
0x7f: {  	_ =	shalt  }
0x80: {  	_ =	shalt  }
0x81: {  	_ =	shalt  }
0x82: {  	_ =	shalt  }
0x83: {  	_ =	shalt  }
0x84: {  	_ =	shalt  }
0x85: {  	_ =	shalt  }
0x86: {  	_ =	shalt  }
0x87: {  	_ =	shalt  }
.Lfunc_end0:
.L_simem_size_0:
called_computation.2_lowered:
.L_overlay_start_0:
0x88: {  	s2 =	sld [smem:$0x3FD9]  }
0x89: {  	s3 =	sld [smem:$0x3FFE];
	_ =	sdelay $0x1  }
0x8a: {  	s1 =	srdreg.scid  }
0x8b: {  	s0 =	sand.u32 $0x1, s1  }
0x8c: {  	s17 =	sshll.u32 s0, $0xA;
	s2 =	sadd.s32 s3, s2  }
0x8d: {  	s2 =	sadd.s32 s2, s17  }
0x8e: {  	[smem:$0x3FC1] =	sst s2  }
0x8f: {  	_ = 	snop  }
0x90: {  	s2 =	sld [smem:$0x3FD0];
	(tm) =	ssettm $0x1  }
0x91: {  	s18 =	sld [smem:$0x3FFB];
	_ =	sdelay $0x3  }
0x92: {  	_ =	strace s18  }
0x93: {  	s3 =	sld [smem:$0x3FFC];
	_ =	sdelay $0x3  }
0x94: {  	_ =	strace s3  }
0x95: {  	s3 =	sld [smem:$0x3FFD];
	_ =	sdelay $0x3  }
0x96: {  	_ =	strace s3  }
0x97: {  	_ =	strace $0x8FFFFFFF  }
0x98: {  	s19 =	sld [smem:$0x3FDB];
	_ =	sdelay $0x1  }
0x99: {  	s4 =	simm.s32 $_scs_section_size  }
0x9a: {  	s5 =	simm.s32 $_size__tile_overlayer_lowered;
	s6 =	simm.s32 $_tile_overlayer_lowered  }
0x9b: {  	s22 =	simm.s32 $0x1BFF;
	s21 =	sshll.u32 s6, $0x1;
	s3 =	sadd.s32 s4, s19  }
0x9c: {  	s7 =	simm.s32 $0x0;
	s20 =	sshll.u32 s5, $0x1;
	s5 =	sadd.s32 s21, s3  }
0x9d: {  	[timem:s7], [sflag:s22] =	dma.local [hbm:s5], s20  }
0x9e: {  	_ =	swait.ge [sflag:s22], s20  }
0x9f: {  	s4 =	ssub.s32 $0x0, s20;
	[sflag:s22] =	ssyncset.done $0x0  }
0xa0: {  	[sflag:s22] =	ssyncadd.s32 s4;
	_ =	sdelay $0x1  }
0xa1: {  	s23 =	simm.s32 $0x1B8B  }
0xa2: {  	_ =	swait.ge [sflag:s23], $0x1  }
0xa3: {  	[sflag:s23] =	ssyncset.done $0x0  }
0xa4: {  	s25 =	simm.s32 $0x1B8E;
	s24 =	sld [smem:$0x3FFE];
	[sflag:s23] =	ssyncadd.s32 $0xFFFFFFFF  }
0xa5: {  	s26 =	simm.s32 $execute0_lowered;
	[smem:$0x3FD2] =	sst s25  }
0xa6: {  	s5 =	sshll.u32 s26, $0x1;
	_ =	strace $0x8000004C;
	[dreg:$0x1] =	wrdreg $0xFFFFFFFF  }
0xa7: {  	s28 =	simm.s32 $_size_execute0_lowered;
	s3 =	sadd.s32 s3, s5;
	[dreg:$0x0] =	wrdreg $0x0  }
0xa8: {  	s5 =	sshll.u32 s28, $0x1;
	[dreg:$0x2] =	wrdreg s3  }
0xa9: {  	[dreg:$0x3] =	wrdreg s5  }
0xaa: {  	[dreg:$0x4] =	wrdreg $0xC0  }
0xab: {  	_ =	task [dreg:s7], $0x5FFFF  }
0xac: {  	[dreg:$0x1] =	wrdreg $0xFFFFFFFF  }
0xad: {  	[dreg:$0x0] =	wrdreg $0x60  }
0xae: {  	[dreg:$0x2] =	wrdreg s24  }
0xaf: {  	[dreg:$0x3] =	wrdreg s2  }
0xb0: {  	[dreg:$0x4] =	wrdreg $0x9  }
0xb1: {  	_ =	task.clear_ibuf [dreg:s7], $0x5FFFF;
	_ =	strace $0x9000004C  }
0xb2: {  	s29 =	simm.s32 $0x9;
	_ =	strace $0x8000004E  }
0xb3: {  	_ =	swait.ge [sflag:s29], $0x1  }
0xb4: {  	[sflag:s29] =	ssyncadd.s32 $0xFFFFFFFF  }
0xb5: {  	_ =	strace $0x9000004E  }
0xb6: {  	_ =	sfence  }
0xb7: {  	s30 =	sld [smem:$0x0];
	_ =	sdelay $0x2  }
0xb8: {  	s31 =	sshll.u32 s1, $0xD;
	s1 =	sshrl.u32 s1, $0x2  }
0xb9: {  	s3 =	sand.u32 $0x4000, s31;
	s1 =	sadd.s32 s1, s30  }
0xba: {  	s0 =	sor.u32 s3, s0;
	s1 =	sshll.u32 s1, $0x11  }
0xbb: {  	s0 =	sor.u32 s1, s0  }
0xbc: {  	s0 =	sadd.s32 $0x8F2B, s0  }
0xbd: {  	[sflag:s0] =	ssyncadd.remote.s32 $0x1  }
0xbe: {  	_ =	sfence.sel $0xFFFF  }
0xbf: {  	[dreg:$0x0] =	wrdreg $0xFFFFFFFF;
	(pc) =	sbr.abs _section_cstart, $3  }
0xc0: {  	[dreg:$0x1] =	wrdreg $0xFFFFFFFF  }
0xc1: {  	_ =	task.clear_ibuf [dreg:s7], $0x2FFFF;
	_ =	strace $0x9FFFFFFF  }
0xc2: {  	(tm) =	ssettm $0x7FFFFFFF  }
0xc3: {  	_ =	shalt  }
tec
execute0_lowered:
.L_overlay_start_1:
0x0: {  	(tag) =	ssettag $0x1  }
0x1: {  	s0 =	rddreg [dreg:$0x0]  }
0x2: {  	s1 =	rddreg [dreg:$0x1]  }
0x3: {  	s2 =	srdreg.scid;
	s4 =	stileid.u32;
	s12 =	simm.s32 $0x3  }
0x4: {  	s14 =	simm.s32 $0x100;
	s15 =	simm.s32 $0xA900;
	s10 =	simm.s32 $0xB100  }
0x5: {  	s16 =	simm.s32 $0xB900;
	s11 =	simm.s32 $0xC100;
	s17 =	simm.s32 $0xC900  }
0x6: {  	s18 =	simm.s32 $0xD100;
	s19 =	simm.s32 $0xD900;
	s20 =	simm.s32 $0xE900  }
0x7: {  	s21 =	simm.s32 $0xF100;
	s22 =	simm.s32 $0xF900;
	s23 =	simm.s32 $0x1  }
0x8: {  	s24 =	simm.s32 $0x2;
	s9 =	simm.s32 $0x0;
	s3 =	sand.u32 $0x1, s2  }
0x9: {  	s2 =	simm.s32 $0x0;
	s4 =	sshll.u32 s4, $0x7;
	s5 =	sshll.u32 s3, $0x6  }
0xa: {  	s8 =	sadd.s32 $0xA0700, s0;
	[smem:$0x7FF] =	sst s2;
	s4 =	sor.u32 s5, s4  }
0xb: {  	s6 =	ssub.s32 $0x2, s3;
	_ =	strace $0x8000004D;
	s7 =	sshrl.u32 s4, $0x3  }
0xc: {  	s28 =	sshrl.u32 s6, $0x1;
	s4 =	sshll.u32 s4, $0x7;
	s29 =	sadd.s32 s0, s7  }
0xd: {  	s5 =	ssub.s32 s6, s28;
	s30 =	sadd.s32 s1, s4;
	[dreg:$0x3] =	wrdreg s29  }
0xe: {  	s3 =	sadd.s32 $0xA0400, s0;
	s31 =	smax.u32 s5, $0x1;
	[dreg:$0x5] =	wrdreg s30  }
0xf: {  	v2 =	vlaneseq.u32;
	s7 =	sadd.s32 $0xA0600, s0;
	s6 =	sadd.s32 $0x200, s29;
	[dreg:$0x7] =	wrdreg s31  }
0x10: {  	vm0 =	vmmov $0xffff;
	v1 =	vshrl.u32 v2, $0x3;
	[dreg:$0x4] =	wrdreg s6;
	s6 =	sadd.s32 $0xA0500, s0;
	s0 =	sadd.s32 $0x1000, s30  }
0x11: {  	v0 =	vand.u32 $0x7, v2;
	v2 =	vor.u32 $0x8, v2;
	v1 =	vmul.u32 $0x8, v1;
	s5 =	simm.s32 $0xA100;
	s4 =	simm.s32 $0xE100;
	[dreg:$0x6] =	wrdreg s0  }
.LBB2_1:
0x12: {  	s0 =	rddreg [dreg:$0x4]  }
0x13: {  	[tilespmem:s2], [sflag:$0x3] =	stream.linear.gather [hbm4b:s0+s2], $0x40, $0x38;
	[tilespmem:$0x10100] =	vst v63  }
0x14: {  	_ =	swait.ge [sflag:s12], $0x40  }
0x15: {  	[sflag:s12] =	ssyncset.done $0x0  }
0x16: {  	s1 =	simm.s32 $0x80;
	s26 =	rddreg [dreg:$0x3];
	[sflag:s12] =	ssyncadd.s32 $0xFFFFFFC0  }
0x17: {  	[tilespmem:s1], [sflag:$0x3] =	stream.linear.gather [hbm4b:s26+s2], $0x40, $0x38;
	[tilespmem:$0x10100] =	vst v63  }
0x18: {  	_ =	swait.ge [sflag:s12], $0x40  }
0x19: {  	[sflag:s12] =	ssyncset.done $0x0  }
0x1a: {  	[sflag:s12] =	ssyncadd.s32 $0xFFFFFFC0  }
0x1b: {  	v3 =	vld [tilespmem:$0x0];
	_ =	sdelay $0x4  }
0x1c: {  	v4 =	vshll.u32 v3, $0x3  }
0x1d: {  	v3 =	vand.u32 $0x7, v3;
	v4 =	vand.u32 $0xFFFFFFC0, v4  }
0x1e: {  	v3 =	vor.u32 v3, v4  }
0x1f: {  	v4 =	vperm.xlane v3, v0;
	_ =	sdelay $0x1  }
0x20: {  	v4 =	vadd.s32 v1, v4;
	_ =	sdelay $0x4  }
0x21: {  	[tilespmem:s14], [sflag:$0x1] =	stream.indirect_vreg.gather [hbm4b:s3+s2], $0x80, v4, vm0, $0xb8;
	[tilespmem:$0x10100] =	vst v63  }
0x22: {  	s13 =	simm.s32 $0x900;
	v3 =	vperm.xlane v3, v2  }
0x23: {  	[tilespmem:s13], [sflag:$0x1] =	stream.indirect_vreg.gather [hbm4b:s6+s2], $0x80, v4, vm0, $0xb8;
	[tilespmem:$0x10100] =	vst v63  }
0x24: {  	s25 =	simm.s32 $0x1100;
	v3 =	vadd.s32 v1, v3  }
0x25: {  	[tilespmem:s25], [sflag:$0x1] =	stream.indirect_vreg.gather [hbm4b:s7+s2], $0x80, v4, vm0, $0xb8;
	[tilespmem:$0x10100] =	vst v63  }
0x26: {  	s26 =	simm.s32 $0x1900  }
0x27: {  	[tilespmem:s26], [sflag:$0x1] =	stream.indirect_vreg.gather [hbm4b:s8+s2], $0x80, v4, vm0, $0xb8;
	[tilespmem:$0x10100] =	vst v63  }
0x28: {  	s1 =	simm.s32 $0x2100  }
0x29: {  	[tilespmem:s1], [sflag:$0x1] =	stream.indirect_vreg.gather [hbm4b:s3+s2], $0x80, v3, vm0, $0xb8;
	[tilespmem:$0x10100] =	vst v63  }
0x2a: {  	s13 =	simm.s32 $0x2900  }
0x2b: {  	[tilespmem:s13], [sflag:$0x1] =	stream.indirect_vreg.gather [hbm4b:s6+s2], $0x80, v3, vm0, $0xb8;
	[tilespmem:$0x10100] =	vst v63  }
0x2c: {  	s25 =	simm.s32 $0x3100  }
0x2d: {  	[tilespmem:s25], [sflag:$0x1] =	stream.indirect_vreg.gather [hbm4b:s7+s2], $0x80, v3, vm0, $0xb8;
	[tilespmem:$0x10100] =	vst v63  }
0x2e: {  	s26 =	simm.s32 $0x3900  }
0x2f: {  	[tilespmem:s26], [sflag:$0x1] =	stream.indirect_vreg.gather [hbm4b:s8+s2], $0x80, v3, vm0, $0xb8;
	[tilespmem:$0x10100] =	vst v63  }
0x30: {  	v3 =	vld [tilespmem:$0x10];
	_ =	sdelay $0x4  }
0x31: {  	v4 =	vshll.u32 v3, $0x3  }
0x32: {  	v3 =	vand.u32 $0x7, v3;
	v4 =	vand.u32 $0xFFFFFFC0, v4  }
0x33: {  	v3 =	vor.u32 v3, v4  }
0x34: {  	v4 =	vperm.xlane v3, v0;
	_ =	sdelay $0x1  }
0x35: {  	v4 =	vadd.s32 v1, v4;
	_ =	sdelay $0x3  }
0x36: {  	s1 =	simm.s32 $0x4100  }
0x37: {  	[tilespmem:s1], [sflag:$0x1] =	stream.indirect_vreg.gather [hbm4b:s3+s2], $0x80, v4, vm0, $0xb8;
	[tilespmem:$0x10100] =	vst v63  }
0x38: {  	s13 =	simm.s32 $0x4900;
	v3 =	vperm.xlane v3, v2  }
0x39: {  	[tilespmem:s13], [sflag:$0x1] =	stream.indirect_vreg.gather [hbm4b:s6+s2], $0x80, v4, vm0, $0xb8;
	[tilespmem:$0x10100] =	vst v63  }
0x3a: {  	s25 =	simm.s32 $0x5100;
	v3 =	vadd.s32 v1, v3  }
0x3b: {  	[tilespmem:s25], [sflag:$0x1] =	stream.indirect_vreg.gather [hbm4b:s7+s2], $0x80, v4, vm0, $0xb8;
	[tilespmem:$0x10100] =	vst v63  }
0x3c: {  	s26 =	simm.s32 $0x5900  }
0x3d: {  	[tilespmem:s26], [sflag:$0x1] =	stream.indirect_vreg.gather [hbm4b:s8+s2], $0x80, v4, vm0, $0xb8;
	[tilespmem:$0x10100] =	vst v63  }
0x3e: {  	s1 =	simm.s32 $0x6100  }
0x3f: {  	[tilespmem:s1], [sflag:$0x1] =	stream.indirect_vreg.gather [hbm4b:s3+s2], $0x80, v3, vm0, $0xb8;
	[tilespmem:$0x10100] =	vst v63  }
0x40: {  	s13 =	simm.s32 $0x6900  }
0x41: {  	[tilespmem:s13], [sflag:$0x1] =	stream.indirect_vreg.gather [hbm4b:s6+s2], $0x80, v3, vm0, $0xb8;
	[tilespmem:$0x10100] =	vst v63  }
0x42: {  	s25 =	simm.s32 $0x7100  }
0x43: {  	[tilespmem:s25], [sflag:$0x1] =	stream.indirect_vreg.gather [hbm4b:s7+s2], $0x80, v3, vm0, $0xb8;
	[tilespmem:$0x10100] =	vst v63  }
0x44: {  	s26 =	simm.s32 $0x7900  }
0x45: {  	[tilespmem:s26], [sflag:$0x1] =	stream.indirect_vreg.gather [hbm4b:s8+s2], $0x80, v3, vm0, $0xb8;
	[tilespmem:$0x10100] =	vst v63  }
0x46: {  	v3 =	vld [tilespmem:$0x80];
	_ =	sdelay $0x4  }
0x47: {  	v4 =	vshll.u32 v3, $0x3  }
0x48: {  	v3 =	vand.u32 $0x7, v3;
	v4 =	vand.u32 $0xFFFFFFC0, v4  }
0x49: {  	v3 =	vor.u32 v3, v4  }
0x4a: {  	v4 =	vperm.xlane v3, v0;
	_ =	sdelay $0x1  }
0x4b: {  	v4 =	vadd.s32 v1, v4;
	_ =	sdelay $0x3  }
0x4c: {  	s1 =	simm.s32 $0x8100  }
0x4d: {  	[tilespmem:s1], [sflag:$0x2] =	stream.indirect_vreg.gather [hbm4b:s3+s2], $0x80, v4, vm0, $0xb8;
	[tilespmem:$0x10100] =	vst v63  }
0x4e: {  	s13 =	simm.s32 $0x8900;
	v3 =	vperm.xlane v3, v2  }
0x4f: {  	[tilespmem:s13], [sflag:$0x2] =	stream.indirect_vreg.gather [hbm4b:s6+s2], $0x80, v4, vm0, $0xb8;
	[tilespmem:$0x10100] =	vst v63  }
0x50: {  	s25 =	simm.s32 $0x9100;
	v3 =	vadd.s32 v1, v3  }
0x51: {  	[tilespmem:s25], [sflag:$0x2] =	stream.indirect_vreg.gather [hbm4b:s7+s2], $0x80, v4, vm0, $0xb8;
	[tilespmem:$0x10100] =	vst v63  }
0x52: {  	s26 =	simm.s32 $0x9900  }
0x53: {  	[tilespmem:s26], [sflag:$0x2] =	stream.indirect_vreg.gather [hbm4b:s8+s2], $0x80, v4, vm0, $0xb8;
	[tilespmem:$0x10100] =	vst v63  }
0x54: {  	_ = 	snop  }
0x55: {  	[tilespmem:s5], [sflag:$0x2] =	stream.indirect_vreg.gather [hbm4b:s3+s2], $0x80, v3, vm0, $0xb8;
	[tilespmem:$0x10100] =	vst v63  }
0x56: {  	_ = 	snop  }
0x57: {  	[tilespmem:s15], [sflag:$0x2] =	stream.indirect_vreg.gather [hbm4b:s6+s2], $0x80, v3, vm0, $0xb8;
	[tilespmem:$0x10100] =	vst v63  }
0x58: {  	_ = 	snop  }
0x59: {  	[tilespmem:s10], [sflag:$0x2] =	stream.indirect_vreg.gather [hbm4b:s7+s2], $0x80, v3, vm0, $0xb8;
	[tilespmem:$0x10100] =	vst v63  }
0x5a: {  	_ = 	snop  }
0x5b: {  	[tilespmem:s16], [sflag:$0x2] =	stream.indirect_vreg.gather [hbm4b:s8+s2], $0x80, v3, vm0, $0xb8;
	[tilespmem:$0x10100] =	vst v63  }
0x5c: {  	v3 =	vld [tilespmem:$0x90];
	_ =	sdelay $0x4  }
0x5d: {  	v4 =	vshll.u32 v3, $0x3  }
0x5e: {  	v3 =	vand.u32 $0x7, v3;
	v4 =	vand.u32 $0xFFFFFFC0, v4  }
0x5f: {  	v3 =	vor.u32 v3, v4  }
0x60: {  	v4 =	vperm.xlane v3, v0;
	_ =	sdelay $0x1  }
0x61: {  	v4 =	vadd.s32 v1, v4;
	_ =	sdelay $0x4  }
0x62: {  	[tilespmem:s11], [sflag:$0x2] =	stream.indirect_vreg.gather [hbm4b:s3+s2], $0x80, v4, vm0, $0xb8;
	[tilespmem:$0x10100] =	vst v63  }
0x63: {  	v3 =	vperm.xlane v3, v2  }
0x64: {  	[tilespmem:s17], [sflag:$0x2] =	stream.indirect_vreg.gather [hbm4b:s6+s2], $0x80, v4, vm0, $0xb8;
	[tilespmem:$0x10100] =	vst v63  }
0x65: {  	v3 =	vadd.s32 v1, v3  }
0x66: {  	[tilespmem:s18], [sflag:$0x2] =	stream.indirect_vreg.gather [hbm4b:s7+s2], $0x80, v4, vm0, $0xb8;
	[tilespmem:$0x10100] =	vst v63  }
0x67: {  	_ = 	snop  }
0x68: {  	[tilespmem:s19], [sflag:$0x2] =	stream.indirect_vreg.gather [hbm4b:s8+s2], $0x80, v4, vm0, $0xb8;
	[tilespmem:$0x10100] =	vst v63  }
0x69: {  	_ = 	snop  }
0x6a: {  	[tilespmem:s4], [sflag:$0x2] =	stream.indirect_vreg.gather [hbm4b:s3+s2], $0x80, v3, vm0, $0xb8;
	[tilespmem:$0x10100] =	vst v63  }
0x6b: {  	_ = 	snop  }
0x6c: {  	[tilespmem:s20], [sflag:$0x2] =	stream.indirect_vreg.gather [hbm4b:s6+s2], $0x80, v3, vm0, $0xb8;
	[tilespmem:$0x10100] =	vst v63  }
0x6d: {  	_ = 	snop  }
0x6e: {  	[tilespmem:s21], [sflag:$0x2] =	stream.indirect_vreg.gather [hbm4b:s7+s2], $0x80, v3, vm0, $0xb8;
	[tilespmem:$0x10100] =	vst v63  }
0x6f: {  	_ = 	snop  }
0x70: {  	[tilespmem:s22], [sflag:$0x2] =	stream.indirect_vreg.gather [hbm4b:s8+s2], $0x80, v3, vm0, $0xb8;
	[tilespmem:$0x10100] =	vst v63  }
0x71: {  	_ =	swait.ge [sflag:s23], $0x8000  }
0x72: {  	s28 =	simm.s32 $0x0;
	s1 =	sand.u32 $0x70, s2;
	[sflag:s23] =	ssyncset.done $0x0  }
0x73: {  	s25 =	simm.s32 $0x0;
	s26 =	sand.u32 $0x1C00, s2;
	[sflag:s23] =	ssyncadd.s32 $0xFFFF8000  }
0x74: {  	s25 =	sand.u32 $0x6000, s25;
	s0 =	sor.u32 s26, s1;
	_ =	swait.ge [sflag:s24], $0x8000  }
0x75: {  	s13 =	sand.u32 $0x380, s28;
	s0 =	sor.u32 s25, s0;
	[sflag:s24] =	ssyncset.done $0x0  }
0x76: {  	s25 =	sor.u32 s13, s0;
	[sflag:s24] =	ssyncadd.s32 $0xFFFF8000  }
0x77: {  	v3 =	vld [tilespmem:s25+$0x8100]  }
0x78: {  	v4 =	vld [tilespmem:s25+$0x100];
	_ =	sdelay $0x1  }
0x79: {  	s30 =	simm.s32 $0x2;
	s28 =	simm.s32 $0x80;
	s26 =	simm.s32 $0x10  }
0x7a: {  	s29 =	simm.s32 $0x10;
	s1 =	sand.u32 $0x70, s26;
	s13 =	sand.u32 $0x1C00, s28  }
0x7b: {  	s31 =	sand.u32 $0x6000, s29;
	s29 =	simm.s32 $0x2;
	s0 =	sor.u32 s13, s1  }
.LBB2_2:
0x7c: {  	p0 =	sne.s32 s29, $0x7FF;
	s1 =	sand.u32 $0x380, s30;
	s0 =	sor.u32 s31, s0;
	v4 =	vadd.f32 v3, v4  }
0x7d: {  	s0 =	sor.u32 s1, s0  }
0x7e: {  	v3 =	vld [tilespmem:s0+$0x8100];
	[tilespmem:s25+$0x100] =	vst v4;
	s25 =	smov.u32 s0  }
.Ltmp0:
0x7f: {  	v4 =	vld [tilespmem:s25+$0x100];
	(pc) =	sbr.rel @p0 .LBB2_2-.Ltmp0, $4  }
0x80: {  	_ = 	snop  }
0x81: {  	s30 =	sshll.u32 s29, $0x1;
	s26 =	sadd.s32 $0x10, s26;
	s28 =	sadd.s32 $0x80, s28  }
0x82: {  	s1 =	sshll.u32 s29, $0x4;
	s13 =	sand.u32 $0x1C00, s28;
	s0 =	sand.u32 $0x70, s26  }
0x83: {  	s29 =	sadd.s32 $0x1, s29;
	s31 =	sand.u32 $0x6000, s1;
	s0 =	sor.u32 s13, s0  }
0x84: {  	s1 =	sand.u32 $0x380, s30;
	s0 =	sor.u32 s31, s0;
	v3 =	vadd.f32 v3, v4  }
0x85: {  	s0 =	sor.u32 s1, s0  }
0x86: {  	v4 =	vld [tilespmem:s0+$0x8100];
	[tilespmem:s25+$0x100] =	vst v3  }
0x87: {  	v3 =	vld [tilespmem:s0+$0x100];
	_ =	sdelay $0x4  }
0x88: {  	v3 =	vadd.f32 v4, v3;
	_ =	sdelay $0x1  }
0x89: {  	s1 =	rddreg [dreg:$0x5];
	s25 =	simm.s32 $0x0;
	[tilespmem:s0+$0x100] =	vst v3  }
0x8a: {  	[hbm4b:s1+s25] =	stream.linear.scatter [tilespmem:s14], [sflag:$0x3], $0x8000, $0x38;
	[tilespmem:$0x10100] =	vst v63  }
0x8b: {  	_ =	swait.ge [sflag:s12], $0x8000  }
0x8c: {  	[sflag:s12] =	ssyncset.done $0x0  }
0x8d: {  	[sflag:s12] =	ssyncadd.s32 $0xFFFF8000  }
0x8e: {  	v3 =	vld [tilespmem:$0x20];
	_ =	sdelay $0x4  }
0x8f: {  	v4 =	vshll.u32 v3, $0x3  }
0x90: {  	v3 =	vand.u32 $0x7, v3;
	v4 =	vand.u32 $0xFFFFFFC0, v4  }
0x91: {  	v3 =	vor.u32 v3, v4  }
0x92: {  	v4 =	vperm.xlane v3, v0;
	_ =	sdelay $0x1  }
0x93: {  	v4 =	vadd.s32 v1, v4;
	_ =	sdelay $0x4  }
0x94: {  	[tilespmem:s14], [sflag:$0x1] =	stream.indirect_vreg.gather [hbm4b:s3+s25], $0x80, v4, vm0, $0xb8;
	[tilespmem:$0x10100] =	vst v63  }
0x95: {  	s13 =	simm.s32 $0x900;
	v3 =	vperm.xlane v3, v2  }
0x96: {  	[tilespmem:s13], [sflag:$0x1] =	stream.indirect_vreg.gather [hbm4b:s6+s25], $0x80, v4, vm0, $0xb8;
	[tilespmem:$0x10100] =	vst v63  }
0x97: {  	s26 =	simm.s32 $0x1100;
	v3 =	vadd.s32 v1, v3  }
0x98: {  	[tilespmem:s26], [sflag:$0x1] =	stream.indirect_vreg.gather [hbm4b:s7+s25], $0x80, v4, vm0, $0xb8;
	[tilespmem:$0x10100] =	vst v63  }
0x99: {  	s1 =	simm.s32 $0x1900  }
0x9a: {  	[tilespmem:s1], [sflag:$0x1] =	stream.indirect_vreg.gather [hbm4b:s8+s25], $0x80, v4, vm0, $0xb8;
	[tilespmem:$0x10100] =	vst v63  }
0x9b: {  	s13 =	simm.s32 $0x2100  }
0x9c: {  	[tilespmem:s13], [sflag:$0x1] =	stream.indirect_vreg.gather [hbm4b:s3+s25], $0x80, v3, vm0, $0xb8;
	[tilespmem:$0x10100] =	vst v63  }
0x9d: {  	s26 =	simm.s32 $0x2900  }
0x9e: {  	[tilespmem:s26], [sflag:$0x1] =	stream.indirect_vreg.gather [hbm4b:s6+s25], $0x80, v3, vm0, $0xb8;
	[tilespmem:$0x10100] =	vst v63  }
0x9f: {  	s1 =	simm.s32 $0x3100  }
0xa0: {  	[tilespmem:s1], [sflag:$0x1] =	stream.indirect_vreg.gather [hbm4b:s7+s25], $0x80, v3, vm0, $0xb8;
	[tilespmem:$0x10100] =	vst v63  }
0xa1: {  	s13 =	simm.s32 $0x3900  }
0xa2: {  	[tilespmem:s13], [sflag:$0x1] =	stream.indirect_vreg.gather [hbm4b:s8+s25], $0x80, v3, vm0, $0xb8;
	[tilespmem:$0x10100] =	vst v63  }
0xa3: {  	v3 =	vld [tilespmem:$0x30];
	_ =	sdelay $0x4  }
0xa4: {  	v4 =	vshll.u32 v3, $0x3  }
0xa5: {  	v3 =	vand.u32 $0x7, v3;
	v4 =	vand.u32 $0xFFFFFFC0, v4  }
0xa6: {  	v3 =	vor.u32 v3, v4  }
0xa7: {  	v4 =	vperm.xlane v3, v0;
	_ =	sdelay $0x1  }
0xa8: {  	v4 =	vadd.s32 v1, v4;
	_ =	sdelay $0x3  }
0xa9: {  	s26 =	simm.s32 $0x4100  }
0xaa: {  	[tilespmem:s26], [sflag:$0x1] =	stream.indirect_vreg.gather [hbm4b:s3+s25], $0x80, v4, vm0, $0xb8;
	[tilespmem:$0x10100] =	vst v63  }
0xab: {  	s1 =	simm.s32 $0x4900;
	v3 =	vperm.xlane v3, v2  }
0xac: {  	[tilespmem:s1], [sflag:$0x1] =	stream.indirect_vreg.gather [hbm4b:s6+s25], $0x80, v4, vm0, $0xb8;
	[tilespmem:$0x10100] =	vst v63  }
0xad: {  	s13 =	simm.s32 $0x5100;
	v3 =	vadd.s32 v1, v3  }
0xae: {  	[tilespmem:s13], [sflag:$0x1] =	stream.indirect_vreg.gather [hbm4b:s7+s25], $0x80, v4, vm0, $0xb8;
	[tilespmem:$0x10100] =	vst v63  }
0xaf: {  	s26 =	simm.s32 $0x5900  }
0xb0: {  	[tilespmem:s26], [sflag:$0x1] =	stream.indirect_vreg.gather [hbm4b:s8+s25], $0x80, v4, vm0, $0xb8;
	[tilespmem:$0x10100] =	vst v63  }
0xb1: {  	s1 =	simm.s32 $0x6100  }
0xb2: {  	[tilespmem:s1], [sflag:$0x1] =	stream.indirect_vreg.gather [hbm4b:s3+s25], $0x80, v3, vm0, $0xb8;
	[tilespmem:$0x10100] =	vst v63  }
0xb3: {  	s13 =	simm.s32 $0x6900  }
0xb4: {  	[tilespmem:s13], [sflag:$0x1] =	stream.indirect_vreg.gather [hbm4b:s6+s25], $0x80, v3, vm0, $0xb8;
	[tilespmem:$0x10100] =	vst v63  }
0xb5: {  	s26 =	simm.s32 $0x7100  }
0xb6: {  	[tilespmem:s26], [sflag:$0x1] =	stream.indirect_vreg.gather [hbm4b:s7+s25], $0x80, v3, vm0, $0xb8;
	[tilespmem:$0x10100] =	vst v63  }
0xb7: {  	s1 =	simm.s32 $0x7900  }
0xb8: {  	[tilespmem:s1], [sflag:$0x1] =	stream.indirect_vreg.gather [hbm4b:s8+s25], $0x80, v3, vm0, $0xb8;
	[tilespmem:$0x10100] =	vst v63  }
0xb9: {  	v3 =	vld [tilespmem:$0xA0];
	_ =	sdelay $0x4  }
0xba: {  	v4 =	vshll.u32 v3, $0x3  }
0xbb: {  	v3 =	vand.u32 $0x7, v3;
	v4 =	vand.u32 $0xFFFFFFC0, v4  }
0xbc: {  	v3 =	vor.u32 v3, v4  }
0xbd: {  	v4 =	vperm.xlane v3, v0;
	_ =	sdelay $0x1  }
0xbe: {  	v4 =	vadd.s32 v1, v4;
	_ =	sdelay $0x3  }
0xbf: {  	s13 =	simm.s32 $0x8100  }
0xc0: {  	[tilespmem:s13], [sflag:$0x2] =	stream.indirect_vreg.gather [hbm4b:s3+s25], $0x80, v4, vm0, $0xb8;
	[tilespmem:$0x10100] =	vst v63  }
0xc1: {  	s26 =	simm.s32 $0x8900;
	v3 =	vperm.xlane v3, v2  }
0xc2: {  	[tilespmem:s26], [sflag:$0x2] =	stream.indirect_vreg.gather [hbm4b:s6+s25], $0x80, v4, vm0, $0xb8;
	[tilespmem:$0x10100] =	vst v63  }
0xc3: {  	s1 =	simm.s32 $0x9100;
	v3 =	vadd.s32 v1, v3  }
0xc4: {  	[tilespmem:s1], [sflag:$0x2] =	stream.indirect_vreg.gather [hbm4b:s7+s25], $0x80, v4, vm0, $0xb8;
	[tilespmem:$0x10100] =	vst v63  }
0xc5: {  	s13 =	simm.s32 $0x9900  }
0xc6: {  	[tilespmem:s13], [sflag:$0x2] =	stream.indirect_vreg.gather [hbm4b:s8+s25], $0x80, v4, vm0, $0xb8;
	[tilespmem:$0x10100] =	vst v63  }
0xc7: {  	_ = 	snop  }
0xc8: {  	[tilespmem:s5], [sflag:$0x2] =	stream.indirect_vreg.gather [hbm4b:s3+s25], $0x80, v3, vm0, $0xb8;
	[tilespmem:$0x10100] =	vst v63  }
0xc9: {  	_ = 	snop  }
0xca: {  	[tilespmem:s15], [sflag:$0x2] =	stream.indirect_vreg.gather [hbm4b:s6+s25], $0x80, v3, vm0, $0xb8;
	[tilespmem:$0x10100] =	vst v63  }
0xcb: {  	_ = 	snop  }
0xcc: {  	[tilespmem:s10], [sflag:$0x2] =	stream.indirect_vreg.gather [hbm4b:s7+s25], $0x80, v3, vm0, $0xb8;
	[tilespmem:$0x10100] =	vst v63  }
0xcd: {  	_ = 	snop  }
0xce: {  	[tilespmem:s16], [sflag:$0x2] =	stream.indirect_vreg.gather [hbm4b:s8+s25], $0x80, v3, vm0, $0xb8;
	[tilespmem:$0x10100] =	vst v63  }
0xcf: {  	v3 =	vld [tilespmem:$0xB0];
	_ =	sdelay $0x4  }
0xd0: {  	v4 =	vshll.u32 v3, $0x3  }
0xd1: {  	v3 =	vand.u32 $0x7, v3;
	v4 =	vand.u32 $0xFFFFFFC0, v4  }
0xd2: {  	v3 =	vor.u32 v3, v4  }
0xd3: {  	v4 =	vperm.xlane v3, v0;
	_ =	sdelay $0x1  }
0xd4: {  	v4 =	vadd.s32 v1, v4;
	_ =	sdelay $0x4  }
0xd5: {  	[tilespmem:s11], [sflag:$0x2] =	stream.indirect_vreg.gather [hbm4b:s3+s25], $0x80, v4, vm0, $0xb8;
	[tilespmem:$0x10100] =	vst v63  }
0xd6: {  	v3 =	vperm.xlane v3, v2  }
0xd7: {  	[tilespmem:s17], [sflag:$0x2] =	stream.indirect_vreg.gather [hbm4b:s6+s25], $0x80, v4, vm0, $0xb8;
	[tilespmem:$0x10100] =	vst v63  }
0xd8: {  	v3 =	vadd.s32 v1, v3  }
0xd9: {  	[tilespmem:s18], [sflag:$0x2] =	stream.indirect_vreg.gather [hbm4b:s7+s25], $0x80, v4, vm0, $0xb8;
	[tilespmem:$0x10100] =	vst v63  }
0xda: {  	_ = 	snop  }
0xdb: {  	[tilespmem:s19], [sflag:$0x2] =	stream.indirect_vreg.gather [hbm4b:s8+s25], $0x80, v4, vm0, $0xb8;
	[tilespmem:$0x10100] =	vst v63  }
0xdc: {  	_ = 	snop  }
0xdd: {  	[tilespmem:s4], [sflag:$0x2] =	stream.indirect_vreg.gather [hbm4b:s3+s25], $0x80, v3, vm0, $0xb8;
	[tilespmem:$0x10100] =	vst v63  }
0xde: {  	_ = 	snop  }
0xdf: {  	[tilespmem:s20], [sflag:$0x2] =	stream.indirect_vreg.gather [hbm4b:s6+s25], $0x80, v3, vm0, $0xb8;
	[tilespmem:$0x10100] =	vst v63  }
0xe0: {  	_ = 	snop  }
0xe1: {  	[tilespmem:s21], [sflag:$0x2] =	stream.indirect_vreg.gather [hbm4b:s7+s25], $0x80, v3, vm0, $0xb8;
	[tilespmem:$0x10100] =	vst v63  }
0xe2: {  	_ = 	snop  }
0xe3: {  	[tilespmem:s22], [sflag:$0x2] =	stream.indirect_vreg.gather [hbm4b:s8+s25], $0x80, v3, vm0, $0xb8;
	[tilespmem:$0x10100] =	vst v63  }
0xe4: {  	_ =	swait.ge [sflag:s23], $0x8000  }
0xe5: {  	s0 =	sand.u32 $0x70, s25;
	s26 =	simm.s32 $0x0;
	[sflag:s23] =	ssyncset.done $0x0  }
0xe6: {  	s1 =	simm.s32 $0x0;
	s13 =	sand.u32 $0x1C00, s25;
	[sflag:s23] =	ssyncadd.s32 $0xFFFF8000  }
0xe7: {  	s1 =	sand.u32 $0x6000, s1;
	s0 =	sor.u32 s13, s0;
	_ =	swait.ge [sflag:s24], $0x8000  }
0xe8: {  	s26 =	sand.u32 $0x380, s26;
	s0 =	sor.u32 s1, s0;
	[sflag:s24] =	ssyncset.done $0x0  }
0xe9: {  	s25 =	sor.u32 s26, s0;
	[sflag:s24] =	ssyncadd.s32 $0xFFFF8000  }
0xea: {  	v3 =	vld [tilespmem:s25+$0x8100]  }
0xeb: {  	v4 =	vld [tilespmem:s25+$0x100];
	_ =	sdelay $0x1  }
0xec: {  	s30 =	simm.s32 $0x2;
	s28 =	simm.s32 $0x80;
	s26 =	simm.s32 $0x10  }
0xed: {  	s13 =	sand.u32 $0x1C00, s28;
	s1 =	simm.s32 $0x10;
	s0 =	sand.u32 $0x70, s26  }
0xee: {  	s29 =	simm.s32 $0x2;
	s31 =	sand.u32 $0x6000, s1;
	s0 =	sor.u32 s13, s0  }
.LBB2_4:
0xef: {  	p0 =	sne.s32 s29, $0x7FF;
	s1 =	sand.u32 $0x380, s30;
	s0 =	sor.u32 s31, s0;
	v4 =	vadd.f32 v3, v4  }
0xf0: {  	s0 =	sor.u32 s1, s0  }
0xf1: {  	v3 =	vld [tilespmem:s0+$0x8100];
	[tilespmem:s25+$0x100] =	vst v4;
	s25 =	smov.u32 s0  }
.Ltmp1:
0xf2: {  	v4 =	vld [tilespmem:s25+$0x100];
	(pc) =	sbr.rel @p0 .LBB2_4-.Ltmp1, $4  }
0xf3: {  	_ = 	snop  }
0xf4: {  	s30 =	sshll.u32 s29, $0x1;
	s26 =	sadd.s32 $0x10, s26;
	s28 =	sadd.s32 $0x80, s28  }
0xf5: {  	s1 =	sshll.u32 s29, $0x4;
	s13 =	sand.u32 $0x1C00, s28;
	s0 =	sand.u32 $0x70, s26  }
0xf6: {  	s29 =	sadd.s32 $0x1, s29;
	s31 =	sand.u32 $0x6000, s1;
	s0 =	sor.u32 s13, s0  }
0xf7: {  	s1 =	sand.u32 $0x380, s30;
	s0 =	sor.u32 s31, s0;
	v3 =	vadd.f32 v3, v4  }
0xf8: {  	s0 =	sor.u32 s1, s0  }
0xf9: {  	v63 =	vld [tilespmem:s0+$0x8100];
	[tilespmem:s25+$0x100] =	vst v3  }
0xfa: {  	v3 =	vld [tilespmem:s0+$0x100];
	_ =	sdelay $0x4  }
0xfb: {  	v3 =	vadd.f32 v63, v3;
	_ =	sdelay $0x1  }
0xfc: {  	s30 =	rddreg [dreg:$0x6];
	[tilespmem:s0+$0x100] =	vst v3  }
0xfd: {  	[hbm4b:s30+s2] =	stream.linear.scatter [tilespmem:s14], [sflag:$0x3], $0x8000, $0x38;
	[tilespmem:$0x10100] =	vst v63  }
0xfe: {  	_ =	swait.ge [sflag:s12], $0x8000  }
0xff: {  	s9 =	sadd.s32 $0x1, s9;
	s31 =	rddreg [dreg:$0x7]  }
0x100: {  	p0 =	sne.s32 s9, s31  }
.Ltmp2:
0x101: {  	_ = 	snop;
	(pc) =	sbr.rel @p0 .LBB2_1-.Ltmp2, $3  }
0x102: {  	_ =	sdelay $0x1  }
0x103: {  	[sflag:s12] =	ssyncset.done $0x0  }
0x104: {  	[sflag:s12] =	ssyncadd.s32 $0xFFFF8000  }
0x105: {  	_ =	sfence.sel $0x180000  }
0x106: {  	[bflag:$0x0] =	sbarrier.arrive $0xFFFF  }
0x107: {  	_ =	strace $0x9000004D  }
0x108: {  	s0 =	stileid.u32;
	[bflag:$0x2] =	sbarrier.arrive $0xFFFF  }
0x109: {  	p0 =	sne.s32 s0, $0x0;
	s0 =	rddreg [dreg:$0x2]  }
0x10a: {  	s0 =	sadd.s32 @!p0 $0x100000, s0  }
0x10b: {  	[sflag:s0] =	ssyncadd.tile.s32 @!p0 $0x1;
	_ =	shalt  }
.Lfunc_end2:
_tile_overlayer_lowered:
.L_overlay_start_2:
0x10c: {  	(tag) =	ssettag $0x2  }
0x10d: {  	s0 =	rddreg [dreg:$0x0];
	s2 =	stileid.u32  }
0x10e: {  	s1 =	rddreg [dreg:$0x1];
	p0 =	sne.s32 s2, $0x0  }
0x10f: {  	s3 =	rddreg [dreg:$0x2];
	[bflag:$0x3] =	sbarrier.arrive $0xFFFF;
	s2 =	simm.s32 @!p0 $0x1C03  }
0x110: {  	[timem:s3], [sflag:s2] =	dma.local @!p0 [hbm:s0], s1  }
0x111: {  	s0 =	simm.s32 @!p0 $0x3  }
0x112: {  	_ =	swait.ge @!p0 [sflag:s0], s1  }
0x113: {  	s1 =	ssub.s32 @!p0 $0x0, s1;
	[sflag:s0] =	ssyncset.done @!p0 $0x0  }
0x114: {  	[sflag:s0] =	ssyncadd.s32 @!p0 s1  }
0x115: {  	[bflag:$0x3] =	sbarrier.arrive $0xFFFF  }
0x116: {  	_ =	shalt  }

</sc_bundles>
